<compile_context>
chip_gen: v7x
topology: tpu7x:2x2x1
jax: 0.10.2.dev20260603
libtpu: 0.0.44.dev20260713+nightly
codegen_flags: <defaults>
</compile_context>

<pallas_src>
import jax
import jax.numpy as jnp
from jax import lax
from jax.experimental import pallas as pl
from jax.experimental.pallas import tpu as pltpu
from jax.experimental.pallas import tpu_sc as plsc

N = 10000
E = 320000
C_IN = 128
C_OUT = 128
K2 = 9

NC = 2
NS = 16
NW = NC * NS
EPW = E // NW
CH = 80
NCHUNK = EPW // CH
VPC = CH // 16
ROWS_PT = 624
TAIL0 = NS * ROWS_PT
TAILR = N - TAIL0


def _xs_body(x_ref, w_ref, sel_ref, src_ref, dst_ref, xs_ref, pk_ref):
    i = pl.program_id(0)
    s = pl.program_id(1)
    xs_ref[0] = jnp.dot(x_ref[...], w_ref[0], preferred_element_type=jnp.float32)

    @pl.when((i == 0) & (s == 0))
    def _():
        pk_ref[...] = ((sel_ref[...] * N + src_ref[...]) << 14) | dst_ref[...]


def _transform_pack(x, W, sel, src, dst):
    BN = 10000
    eshp = (E // 128, 128)
    zero_map = lambda i, s: (0, 0)
    return pl.pallas_call(
        _xs_body,
        grid=(N // BN, K2),
        in_specs=[
            pl.BlockSpec((BN, C_IN), lambda i, s: (i, 0)),
            pl.BlockSpec((1, C_IN, C_OUT), lambda i, s: (s, 0, 0)),
            pl.BlockSpec(eshp, zero_map),
            pl.BlockSpec(eshp, zero_map),
            pl.BlockSpec(eshp, zero_map),
        ],
        out_specs=[
            pl.BlockSpec((1, BN, C_OUT), lambda i, s: (s, i, 0)),
            pl.BlockSpec(eshp, zero_map),
        ],
        out_shape=[
            jax.ShapeDtypeStruct((K2, N, C_OUT), jnp.float32),
            jax.ShapeDtypeStruct(eshp, jnp.int32),
        ],
    )(x, W, sel.reshape(eshp), src.reshape(eshp), dst.reshape(eshp))


def _sc_body(xs_hbm, pk_hbm, zeros_hbm, out_hbm,
             pk_v, gidx_v, dst_v, rows0, rows1, acc, sem0, sem1, sems0, sems1):
    c = lax.axis_index("c")
    s = lax.axis_index("s")
    wid = c * NS + s

    pltpu.sync_copy(pk_hbm.at[wid], pk_v)

    row0 = s * ROWS_PT
    pltpu.sync_copy(zeros_hbm.at[pl.ds(row0, ROWS_PT)],
                    acc.at[pl.ds(row0, ROWS_PT)])

    @pl.when(s == NS - 1)
    def _():
        pltpu.sync_copy(zeros_hbm.at[pl.ds(TAIL0, TAILR)],
                        acc.at[pl.ds(TAIL0, TAILR)])

    @pl.loop(0, NCHUNK)
    def unpack_body(j):
        for m in range(VPC):
            sl = pl.ds(m * 16, 16)
            p = pk_v[j, sl]
            gidx_v[j, sl] = p >> 14
            dst_v[j, sl] = p & 16383

    plsc.subcore_barrier()

    pltpu.async_copy(xs_hbm.at[gidx_v.at[0]], rows0, sem0)
    pltpu.async_copy(xs_hbm.at[gidx_v.at[1]], rows1, sem1)

    @pl.loop(0, NCHUNK - 3, step=2)
    def chunk_body(g):
        pltpu.make_async_copy(xs_hbm.at[gidx_v.at[g]], rows0, sem0).wait()
        pltpu.async_copy(rows0, acc.at[dst_v.at[g]], sems0, add=True)
        pltpu.make_async_copy(xs_hbm.at[gidx_v.at[g + 1]], rows1, sem1).wait()
        pltpu.async_copy(rows1, acc.at[dst_v.at[g + 1]], sems1, add=True)
        pltpu.make_async_copy(rows0, acc.at[dst_v.at[g]], sems0).wait()
        pltpu.async_copy(xs_hbm.at[gidx_v.at[g + 2]], rows0, sem0)
        pltpu.make_async_copy(rows1, acc.at[dst_v.at[g + 1]], sems1).wait()
        pltpu.async_copy(xs_hbm.at[gidx_v.at[g + 3]], rows1, sem1)

    pltpu.make_async_copy(xs_hbm.at[gidx_v.at[NCHUNK - 3]], rows0, sem0).wait()
    pltpu.sync_copy(rows0, acc.at[dst_v.at[NCHUNK - 3]], add=True)
    pltpu.make_async_copy(xs_hbm.at[gidx_v.at[NCHUNK - 2]], rows1, sem1).wait()
    pltpu.sync_copy(rows1, acc.at[dst_v.at[NCHUNK - 2]], add=True)
    pltpu.async_copy(xs_hbm.at[gidx_v.at[NCHUNK - 1]], rows0, sem0)
    pltpu.make_async_copy(xs_hbm.at[gidx_v.at[NCHUNK - 1]], rows0, sem0).wait()
    pltpu.sync_copy(rows0, acc.at[dst_v.at[NCHUNK - 1]], add=True)

    plsc.subcore_barrier()
    pltpu.sync_copy(acc.at[pl.ds(row0, ROWS_PT)],
                    out_hbm.at[c, pl.ds(row0, ROWS_PT)])

    @pl.when(s == NS - 1)
    def _():
        pltpu.sync_copy(acc.at[pl.ds(TAIL0, TAILR)],
                        out_hbm.at[c, pl.ds(TAIL0, TAILR)])


def _scatter(xs2d, pk3, zeros):
    mesh = plsc.VectorSubcoreMesh(core_axis_name="c", subcore_axis_name="s",
                                  num_cores=NC, num_subcores=NS)
    fn = pl.kernel(
        _sc_body,
        out_type=jax.ShapeDtypeStruct((NC, N, C_OUT), jnp.float32),
        mesh=mesh,
        compiler_params=pltpu.CompilerParams(use_tc_tiling_on_sc=False),
        scratch_types=[
            pltpu.VMEM((NCHUNK, CH), jnp.int32),
            pltpu.VMEM((NCHUNK, CH), jnp.int32),
            pltpu.VMEM((NCHUNK, CH), jnp.int32),
            pltpu.VMEM((CH, C_OUT), jnp.float32),
            pltpu.VMEM((CH, C_OUT), jnp.float32),
            pltpu.VMEM_SHARED((N, C_OUT), jnp.float32),
            pltpu.SemaphoreType.DMA,
            pltpu.SemaphoreType.DMA,
            pltpu.SemaphoreType.DMA,
            pltpu.SemaphoreType.DMA,
        ],
    )
    return fn(xs2d, pk3, zeros)


def _combine_body(p_ref, b_ref, o_ref):
    o_ref[...] = p_ref[0] + p_ref[1] + b_ref[0]


def _combine(partials, b):
    BN = 10000
    return pl.pallas_call(
        _combine_body,
        grid=(N // BN,),
        in_specs=[
            pl.BlockSpec((NC, BN, C_OUT), lambda i: (0, i, 0)),
            pl.BlockSpec((1, C_OUT), lambda i: (0, 0)),
        ],
        out_specs=pl.BlockSpec((BN, C_OUT), lambda i: (i, 0)),
        out_shape=jax.ShapeDtypeStruct((N, C_OUT), jnp.float32),
    )(partials, b.reshape(1, C_OUT))


def kernel(x, edge_index, selections, W, b):
    xs, pk = _transform_pack(x, W,
                             selections.astype(jnp.int32),
                             edge_index[0].astype(jnp.int32),
                             edge_index[1].astype(jnp.int32))
    partials = _scatter(xs.reshape(K2 * N, C_OUT), pk.reshape(NW, NCHUNK, CH),
                        jnp.zeros((N, C_OUT), jnp.float32))
    return _combine(partials, b)

# --- scband reference (transcript-rebuilt; emitter-appended) ---
"""Pipeline reference for scband-sel-conv-43516608643456 (READ-ONLY COPY).

The authoritative reference and input builder live on the scoring server;
editing this copy changes nothing except your own understanding.
"""

import jax, jax.numpy as jnp
import numpy as np

N = 10000
E = 320000
C_IN = 128
C_OUT = 128
K2 = 9  # kernel_size**2 selection classes for a 3x3 SelectionConv


def setup_inputs(seed: int = 0) -> dict:
    key = jax.random.key(seed)
    k1, k2, k3, k4, k5 = jax.random.split(key, 5)
    x = jax.random.normal(k1, (N, C_IN), dtype=jnp.float32)
    edge_index = jax.random.randint(k2, (2, E), 0, N)
    selections = jax.random.randint(k3, (E,), 0, K2)
    # learned parameters of SelectionConv: one (C_in, C_out) weight per selection direction, plus bias
    W = jax.random.normal(k4, (K2, C_IN, C_OUT), dtype=jnp.float32) * 0.05
    b = jax.random.normal(k5, (C_OUT,), dtype=jnp.float32) * 0.05
    return {"x": x, "edge_index": edge_index, "selections": selections, "W": W, "b": b}


def reference(x, edge_index, selections, W, b):
    # SelectionConv forward (stride=1 path of SelConv):
    # 1) transform node features by each of the K2 selection weight matrices
    # 2) for each edge (src->dst) with selection s, gather the s-transformed src feature
    # 3) scatter-add messages into dst nodes, add bias
    src = edge_index[0]
    dst = edge_index[1]
    xs = jnp.einsum('nc,scd->snd', x, W)              # [K2, N, C_out]
    msgs = xs[selections, src]                         # [E, C_out] gather by (selection, src)
    out = jax.ops.segment_sum(msgs, dst, num_segments=x.shape[0])  # scatter-add to dst
    out = out + b
    return out

if __name__ == "__main__":
    import jax
    _d = setup_inputs()
    print(jax.jit(kernel)(*tuple(_d.values())))

</pallas_src>

<mosaic_0001>
#map = affine_map<(d0, d1) -> (0, 0)>
#map1 = affine_map<(d0, d1) -> (0, 0, 0)>
module attributes {stable_mosaic.version = 14 : i64} {
  func.func @_sc_body(%arg0: i32, %arg1: i32, %arg2: memref<90000x128xf32, #tpu.memory_space<hbm>>, %arg3: memref<32x125x80xi32, #tpu.memory_space<hbm>>, %arg4: memref<10000x128xf32, #tpu.memory_space<hbm>>, %arg5: memref<2x10000x128xf32, #tpu.memory_space<hbm>>, %arg6: memref<125x80xi32, #tpu.memory_space<vmem>>, %arg7: memref<125x80xi32, #tpu.memory_space<vmem>>, %arg8: memref<125x80xi32, #tpu.memory_space<vmem>>, %arg9: memref<80x128xf32, #tpu.memory_space<vmem>>, %arg10: memref<80x128xf32, #tpu.memory_space<vmem>>, %arg11: memref<10000x128xf32, #tpu.memory_space<vmem_shared>>, %arg12: memref<!tpu.dma_semaphore, #tpu.memory_space<semaphore_mem>>, %arg13: memref<!tpu.dma_semaphore, #tpu.memory_space<semaphore_mem>>, %arg14: memref<!tpu.dma_semaphore, #tpu.memory_space<semaphore_mem>>, %arg15: memref<!tpu.dma_semaphore, #tpu.memory_space<semaphore_mem>>) attributes {dimension_semantics = [#tpu.dimension_semantics<core_parallel>, #tpu.dimension_semantics<subcore_parallel>], iteration_bounds = array<i64: 2, 16>, scalar_prefetch = 0 : i64, scratch_operands = 10 : i64, tpu.core_type = #tpu.core_type<sc_vector_subcore>, window_params = [{transform_indices = #map}, {transform_indices = #map1}, {transform_indices = #map}, {transform_indices = #map1}]} {
    %mul3A = arith.constant 16 : i32
    %mul3A_0 = arith.muli %arg0, %mul3A : i32
    %add3A = arith.addi %mul3A_0, %arg1 : i32
    "tpu.region"() ({
      %run_scoped3A_62 = tpu.sem_alloc : memref<!tpu.dma_semaphore, #tpu.memory_space<semaphore_mem>>
      %dma_start3A_63 = arith.constant 0 : i32
      %dma_start3A_64 = arith.constant 0 : i32
      %dma_start3A_65 = tpu.memref_slice %arg3[%add3A, %dma_start3A_63, %dma_start3A_64] : memref<32x125x80xi32, #tpu.memory_space<hbm>> -> memref<1x125x80xi32, #tpu.memory_space<hbm>>
      %dma_start3A_66 = tpu.memref_squeeze %dma_start3A_65 : memref<1x125x80xi32, #tpu.memory_space<hbm>> -> memref<125x80xi32, #tpu.memory_space<hbm>>
      %dma_start3A_67 = arith.constant 0 : i32
      %dma_start3A_68 = arith.constant 0 : i32
      %dma_start3A_69 = tpu.memref_slice %arg3[%add3A, %dma_start3A_67, %dma_start3A_68] : memref<32x125x80xi32, #tpu.memory_space<hbm>> -> memref<1x125x80xi32, #tpu.memory_space<hbm>>
      %dma_start3A_70 = tpu.memref_squeeze %dma_start3A_69 : memref<1x125x80xi32, #tpu.memory_space<hbm>> -> memref<125x80xi32, #tpu.memory_space<hbm>>
      tpu.enqueue_dma source(%dma_start3A_70 : memref<125x80xi32, #tpu.memory_space<hbm>>) target(%arg6 : memref<125x80xi32, #tpu.memory_space<vmem>>) target_semaphore(%run_scoped3A_62 : memref<!tpu.dma_semaphore, #tpu.memory_space<semaphore_mem>>)
      %dma_wait3A_71 = arith.constant 0 : i32
      %dma_wait3A_72 = arith.constant 0 : i32
      %dma_wait3A_73 = tpu.memref_slice %arg3[%add3A, %dma_wait3A_71, %dma_wait3A_72] : memref<32x125x80xi32, #tpu.memory_space<hbm>> -> memref<1x125x80xi32, #tpu.memory_space<hbm>>
      %dma_wait3A_74 = tpu.memref_squeeze %dma_wait3A_73 : memref<1x125x80xi32, #tpu.memory_space<hbm>> -> memref<125x80xi32, #tpu.memory_space<hbm>>
      %dma_wait3A_75 = arith.constant 0 : i32
      %dma_wait3A_76 = arith.constant 0 : i32
      %dma_wait3A_77 = tpu.memref_slice %arg3[%add3A, %dma_wait3A_75, %dma_wait3A_76] : memref<32x125x80xi32, #tpu.memory_space<hbm>> -> memref<1x125x80xi32, #tpu.memory_space<hbm>>
      %dma_wait3A_78 = tpu.memref_squeeze %dma_wait3A_77 : memref<1x125x80xi32, #tpu.memory_space<hbm>> -> memref<125x80xi32, #tpu.memory_space<hbm>>
      tpu.wait_dma2 semaphore(%run_scoped3A_62 : memref<!tpu.dma_semaphore, #tpu.memory_space<semaphore_mem>>) src(%dma_wait3A_78 : memref<125x80xi32, #tpu.memory_space<hbm>>) dst(%arg6 : memref<125x80xi32, #tpu.memory_space<vmem>>)
      tpu.yield
    }) : () -> ()
    %mul3A_1 = arith.constant 624 : i32
    %mul3A_2 = arith.muli %arg1, %mul3A_1 : i32
    "tpu.region"() ({
      %run_scoped3A_62 = tpu.sem_alloc : memref<!tpu.dma_semaphore, #tpu.memory_space<semaphore_mem>>
      %dma_start3A_63 = arith.constant 0 : i32
      %dma_start3A_64 = tpu.memref_slice %arg11[%mul3A_2, %dma_start3A_63] : memref<10000x128xf32, #tpu.memory_space<vmem_shared>> -> memref<624x128xf32, #tpu.memory_space<vmem_shared>>
      %dma_start3A_65 = arith.constant 0 : i32
      %dma_start3A_66 = tpu.memref_slice %arg4[%mul3A_2, %dma_start3A_65] : memref<10000x128xf32, #tpu.memory_space<hbm>> -> memref<624x128xf32, #tpu.memory_space<hbm>>
      tpu.enqueue_dma source(%dma_start3A_66 : memref<624x128xf32, #tpu.memory_space<hbm>>) target(%dma_start3A_64 : memref<624x128xf32, #tpu.memory_space<vmem_shared>>) target_semaphore(%run_scoped3A_62 : memref<!tpu.dma_semaphore, #tpu.memory_space<semaphore_mem>>)
      %dma_wait3A_67 = arith.constant 0 : i32
      %dma_wait3A_68 = tpu.memref_slice %arg11[%mul3A_2, %dma_wait3A_67] : memref<10000x128xf32, #tpu.memory_space<vmem_shared>> -> memref<624x128xf32, #tpu.memory_space<vmem_shared>>
      %dma_wait3A_69 = arith.constant 0 : i32
      %dma_wait3A_70 = tpu.memref_slice %arg4[%mul3A_2, %dma_wait3A_69] : memref<10000x128xf32, #tpu.memory_space<hbm>> -> memref<624x128xf32, #tpu.memory_space<hbm>>
      tpu.wait_dma2 semaphore(%run_scoped3A_62 : memref<!tpu.dma_semaphore, #tpu.memory_space<semaphore_mem>>) src(%dma_wait3A_70 : memref<624x128xf32, #tpu.memory_space<hbm>>) dst(%dma_wait3A_68 : memref<624x128xf32, #tpu.memory_space<vmem_shared>>)
      tpu.yield
    }) : () -> ()
    %eq3A = arith.constant 15 : i32
    %eq3A_3 = arith.cmpi eq, %arg1, %eq3A : i32
    %convert_element_type3A = arith.extui %eq3A_3 : i1 to i32
    %cond3A = arith.constant 0 : i32
    %cond3A_4 = arith.cmpi ne, %convert_element_type3A, %cond3A : i32
    scf.if %cond3A_4 {
      "tpu.region"() ({
        %run_scoped3A_62 = tpu.sem_alloc : memref<!tpu.dma_semaphore, #tpu.memory_space<semaphore_mem>>
        %dma_start3A_63 = arith.constant 9984 : i32
        %dma_start3A_64 = arith.constant 0 : i32
        %dma_start3A_65 = tpu.memref_slice %arg11[%dma_start3A_63, %dma_start3A_64] : memref<10000x128xf32, #tpu.memory_space<vmem_shared>> -> memref<16x128xf32, #tpu.memory_space<vmem_shared>>
        %dma_start3A_66 = arith.constant 9984 : i32
        %dma_start3A_67 = arith.constant 0 : i32
        %dma_start3A_68 = tpu.memref_slice %arg4[%dma_start3A_66, %dma_start3A_67] : memref<10000x128xf32, #tpu.memory_space<hbm>> -> memref<16x128xf32, #tpu.memory_space<hbm>>
        tpu.enqueue_dma source(%dma_start3A_68 : memref<16x128xf32, #tpu.memory_space<hbm>>) target(%dma_start3A_65 : memref<16x128xf32, #tpu.memory_space<vmem_shared>>) target_semaphore(%run_scoped3A_62 : memref<!tpu.dma_semaphore, #tpu.memory_space<semaphore_mem>>)
        %dma_wait3A_69 = arith.constant 9984 : i32
        %dma_wait3A_70 = arith.constant 0 : i32
        %dma_wait3A_71 = tpu.memref_slice %arg11[%dma_wait3A_69, %dma_wait3A_70] : memref<10000x128xf32, #tpu.memory_space<vmem_shared>> -> memref<16x128xf32, #tpu.memory_space<vmem_shared>>
        %dma_wait3A_72 = arith.constant 9984 : i32
        %dma_wait3A_73 = arith.constant 0 : i32
        %dma_wait3A_74 = tpu.memref_slice %arg4[%dma_wait3A_72, %dma_wait3A_73] : memref<10000x128xf32, #tpu.memory_space<hbm>> -> memref<16x128xf32, #tpu.memory_space<hbm>>
        tpu.wait_dma2 semaphore(%run_scoped3A_62 : memref<!tpu.dma_semaphore, #tpu.memory_space<semaphore_mem>>) src(%dma_wait3A_74 : memref<16x128xf32, #tpu.memory_space<hbm>>) dst(%dma_wait3A_71 : memref<16x128xf32, #tpu.memory_space<vmem_shared>>)
        tpu.yield
      }) : () -> ()
    } else {
    }
    %scan3A = arith.constant 0 : i32
    %scan3A_5 = arith.constant 125 : i32
    %scan3A_6 = arith.addi %scan3A, %scan3A_5 : i32
    %scan3A_7 = arith.constant 1 : i32
    scf.for %scan3A_62 = %scan3A to %scan3A_6 step %scan3A_7  : i32 {
      %mul3A_63 = arith.constant 1 : i32
      %mul3A_64 = arith.muli %scan3A_62, %mul3A_63 : i32
      %add3A_65 = arith.constant 0 : i32
      %add3A_66 = arith.addi %add3A_65, %mul3A_64 : i32
      %get3A = arith.index_cast %add3A_66 : i32 to index
      %get3A_67 = arith.constant 0 : index
      %get3A_68 = tpu.vector_load %arg6[%get3A, %get3A_67] {strides = array<i32>} : memref<125x80xi32, #tpu.memory_space<vmem>>, vector<1x16xi32>,
      %get3A_69 = vector.shape_cast %get3A_68 : vector<1x16xi32> to vector<16xi32>
      %shift_right_arithmetic3A = arith.constant 14 : i32
      %shift_right_arithmetic3A_70 = vector.broadcast %shift_right_arithmetic3A : i32 to vector<16xi32>
      %shift_right_arithmetic3A_71 = arith.shrsi %get3A_69, %shift_right_arithmetic3A_70 : vector<16xi32>
      %swap3A = arith.index_cast %add3A_66 : i32 to index
      %swap3A_72 = arith.constant 0 : index
      %swap3A_73 = tpu.vector_load %arg7[%swap3A, %swap3A_72] {strides = array<i32>} : memref<125x80xi32, #tpu.memory_space<vmem>>, vector<1x16xi32>,
      %swap3A_74 = vector.shape_cast %swap3A_73 : vector<1x16xi32> to vector<16xi32>
      %swap3A_75 = vector.shape_cast %shift_right_arithmetic3A_71 : vector<16xi32> to vector<1x16xi32>
      tpu.vector_store %arg7[%swap3A, %swap3A_72], %swap3A_75 {strides = array<i32>} : memref<125x80xi32, #tpu.memory_space<vmem>>, vector<1x16xi32>,
      %and3A = arith.constant 16383 : i32
      %and3A_76 = vector.broadcast %and3A : i32 to vector<16xi32>
      %and3A_77 = arith.andi %get3A_69, %and3A_76 : vector<16xi32>
      %swap3A_78 = arith.index_cast %add3A_66 : i32 to index
      %swap3A_79 = arith.constant 0 : index
      %swap3A_80 = tpu.vector_load %arg8[%swap3A_78, %swap3A_79] {strides = array<i32>} : memref<125x80xi32, #tpu.memory_space<vmem>>, vector<1x16xi32>,
      %swap3A_81 = vector.shape_cast %swap3A_80 : vector<1x16xi32> to vector<16xi32>
      %swap3A_82 = vector.shape_cast %and3A_77 : vector<16xi32> to vector<1x16xi32>
      tpu.vector_store %arg8[%swap3A_78, %swap3A_79], %swap3A_82 {strides = array<i32>} : memref<125x80xi32, #tpu.memory_space<vmem>>, vector<1x16xi32>,
      %get3A_83 = arith.index_cast %add3A_66 : i32 to index
      %get3A_84 = arith.constant 16 : index
      %get3A_85 = tpu.vector_load %arg6[%get3A_83, %get3A_84] {strides = array<i32>} : memref<125x80xi32, #tpu.memory_space<vmem>>, vector<1x16xi32>,
      %get3A_86 = vector.shape_cast %get3A_85 : vector<1x16xi32> to vector<16xi32>
      %shift_right_arithmetic3A_87 = arith.constant 14 : i32
      %shift_right_arithmetic3A_88 = vector.broadcast %shift_right_arithmetic3A_87 : i32 to vector<16xi32>
      %shift_right_arithmetic3A_89 = arith.shrsi %get3A_86, %shift_right_arithmetic3A_88 : vector<16xi32>
      %swap3A_90 = arith.index_cast %add3A_66 : i32 to index
      %swap3A_91 = arith.constant 16 : index
      %swap3A_92 = tpu.vector_load %arg7[%swap3A_90, %swap3A_91] {strides = array<i32>} : memref<125x80xi32, #tpu.memory_space<vmem>>, vector<1x16xi32>,
      %swap3A_93 = vector.shape_cast %swap3A_92 : vector<1x16xi32> to vector<16xi32>
      %swap3A_94 = vector.shape_cast %shift_right_arithmetic3A_89 : vector<16xi32> to vector<1x16xi32>
      tpu.vector_store %arg7[%swap3A_90, %swap3A_91], %swap3A_94 {strides = array<i32>} : memref<125x80xi32, #tpu.memory_space<vmem>>, vector<1x16xi32>,
      %and3A_95 = arith.constant 16383 : i32
      %and3A_96 = vector.broadcast %and3A_95 : i32 to vector<16xi32>
      %and3A_97 = arith.andi %get3A_86, %and3A_96 : vector<16xi32>
      %swap3A_98 = arith.index_cast %add3A_66 : i32 to index
      %swap3A_99 = arith.constant 16 : index
      %swap3A_100 = tpu.vector_load %arg8[%swap3A_98, %swap3A_99] {strides = array<i32>} : memref<125x80xi32, #tpu.memory_space<vmem>>, vector<1x16xi32>,
      %swap3A_101 = vector.shape_cast %swap3A_100 : vector<1x16xi32> to vector<16xi32>
      %swap3A_102 = vector.shape_cast %and3A_97 : vector<16xi32> to vector<1x16xi32>
      tpu.vector_store %arg8[%swap3A_98, %swap3A_99], %swap3A_102 {strides = array<i32>} : memref<125x80xi32, #tpu.memory_space<vmem>>, vector<1x16xi32>,
      %get3A_103 = arith.index_cast %add3A_66 : i32 to index
      %get3A_104 = arith.constant 32 : index
      %get3A_105 = tpu.vector_load %arg6[%get3A_103, %get3A_104] {strides = array<i32>} : memref<125x80xi32, #tpu.memory_space<vmem>>, vector<1x16xi32>,
      %get3A_106 = vector.shape_cast %get3A_105 : vector<1x16xi32> to vector<16xi32>
      %shift_right_arithmetic3A_107 = arith.constant 14 : i32
      %shift_right_arithmetic3A_108 = vector.broadcast %shift_right_arithmetic3A_107 : i32 to vector<16xi32>
      %shift_right_arithmetic3A_109 = arith.shrsi %get3A_106, %shift_right_arithmetic3A_108 : vector<16xi32>
      %swap3A_110 = arith.index_cast %add3A_66 : i32 to index
      %swap3A_111 = arith.constant 32 : index
      %swap3A_112 = tpu.vector_load %arg7[%swap3A_110, %swap3A_111] {strides = array<i32>} : memref<125x80xi32, #tpu.memory_space<vmem>>, vector<1x16xi32>,
      %swap3A_113 = vector.shape_cast %swap3A_112 : vector<1x16xi32> to vector<16xi32>
      %swap3A_114 = vector.shape_cast %shift_right_arithmetic3A_109 : vector<16xi32> to vector<1x16xi32>
      tpu.vector_store %arg7[%swap3A_110, %swap3A_111], %swap3A_114 {strides = array<i32>} : memref<125x80xi32, #tpu.memory_space<vmem>>, vector<1x16xi32>,
      %and3A_115 = arith.constant 16383 : i32
      %and3A_116 = vector.broadcast %and3A_115 : i32 to vector<16xi32>
      %and3A_117 = arith.andi %get3A_106, %and3A_116 : vector<16xi32>
      %swap3A_118 = arith.index_cast %add3A_66 : i32 to index
      %swap3A_119 = arith.constant 32 : index
      %swap3A_120 = tpu.vector_load %arg8[%swap3A_118, %swap3A_119] {strides = array<i32>} : memref<125x80xi32, #tpu.memory_space<vmem>>, vector<1x16xi32>,
      %swap3A_121 = vector.shape_cast %swap3A_120 : vector<1x16xi32> to vector<16xi32>
      %swap3A_122 = vector.shape_cast %and3A_117 : vector<16xi32> to vector<1x16xi32>
      tpu.vector_store %arg8[%swap3A_118, %swap3A_119], %swap3A_122 {strides = array<i32>} : memref<125x80xi32, #tpu.memory_space<vmem>>, vector<1x16xi32>,
      %get3A_123 = arith.index_cast %add3A_66 : i32 to index
      %get3A_124 = arith.constant 48 : index
      %get3A_125 = tpu.vector_load %arg6[%get3A_123, %get3A_124] {strides = array<i32>} : memref<125x80xi32, #tpu.memory_space<vmem>>, vector<1x16xi32>,
      %get3A_126 = vector.shape_cast %get3A_125 : vector<1x16xi32> to vector<16xi32>
      %shift_right_arithmetic3A_127 = arith.constant 14 : i32
      %shift_right_arithmetic3A_128 = vector.broadcast %shift_right_arithmetic3A_127 : i32 to vector<16xi32>
      %shift_right_arithmetic3A_129 = arith.shrsi %get3A_126, %shift_right_arithmetic3A_128 : vector<16xi32>
      %swap3A_130 = arith.index_cast %add3A_66 : i32 to index
      %swap3A_131 = arith.constant 48 : index
      %swap3A_132 = tpu.vector_load %arg7[%swap3A_130, %swap3A_131] {strides = array<i32>} : memref<125x80xi32, #tpu.memory_space<vmem>>, vector<1x16xi32>,
      %swap3A_133 = vector.shape_cast %swap3A_132 : vector<1x16xi32> to vector<16xi32>
      %swap3A_134 = vector.shape_cast %shift_right_arithmetic3A_129 : vector<16xi32> to vector<1x16xi32>
      tpu.vector_store %arg7[%swap3A_130, %swap3A_131], %swap3A_134 {strides = array<i32>} : memref<125x80xi32, #tpu.memory_space<vmem>>, vector<1x16xi32>,
      %and3A_135 = arith.constant 16383 : i32
      %and3A_136 = vector.broadcast %and3A_135 : i32 to vector<16xi32>
      %and3A_137 = arith.andi %get3A_126, %and3A_136 : vector<16xi32>
      %swap3A_138 = arith.index_cast %add3A_66 : i32 to index
      %swap3A_139 = arith.constant 48 : index
      %swap3A_140 = tpu.vector_load %arg8[%swap3A_138, %swap3A_139] {strides = array<i32>} : memref<125x80xi32, #tpu.memory_space<vmem>>, vector<1x16xi32>,
      %swap3A_141 = vector.shape_cast %swap3A_140 : vector<1x16xi32> to vector<16xi32>
      %swap3A_142 = vector.shape_cast %and3A_137 : vector<16xi32> to vector<1x16xi32>
      tpu.vector_store %arg8[%swap3A_138, %swap3A_139], %swap3A_142 {strides = array<i32>} : memref<125x80xi32, #tpu.memory_space<vmem>>, vector<1x16xi32>,
      %get3A_143 = arith.index_cast %add3A_66 : i32 to index
      %get3A_144 = arith.constant 64 : index
      %get3A_145 = tpu.vector_load %arg6[%get3A_143, %get3A_144] {strides = array<i32>} : memref<125x80xi32, #tpu.memory_space<vmem>>, vector<1x16xi32>,
      %get3A_146 = vector.shape_cast %get3A_145 : vector<1x16xi32> to vector<16xi32>
      %shift_right_arithmetic3A_147 = arith.constant 14 : i32
      %shift_right_arithmetic3A_148 = vector.broadcast %shift_right_arithmetic3A_147 : i32 to vector<16xi32>
      %shift_right_arithmetic3A_149 = arith.shrsi %get3A_146, %shift_right_arithmetic3A_148 : vector<16xi32>
      %swap3A_150 = arith.index_cast %add3A_66 : i32 to index
      %swap3A_151 = arith.constant 64 : index
      %swap3A_152 = tpu.vector_load %arg7[%swap3A_150, %swap3A_151] {strides = array<i32>} : memref<125x80xi32, #tpu.memory_space<vmem>>, vector<1x16xi32>,
      %swap3A_153 = vector.shape_cast %swap3A_152 : vector<1x16xi32> to vector<16xi32>
      %swap3A_154 = vector.shape_cast %shift_right_arithmetic3A_149 : vector<16xi32> to vector<1x16xi32>
      tpu.vector_store %arg7[%swap3A_150, %swap3A_151], %swap3A_154 {strides = array<i32>} : memref<125x80xi32, #tpu.memory_space<vmem>>, vector<1x16xi32>,
      %and3A_155 = arith.constant 16383 : i32
      %and3A_156 = vector.broadcast %and3A_155 : i32 to vector<16xi32>
      %and3A_157 = arith.andi %get3A_146, %and3A_156 : vector<16xi32>
      %swap3A_158 = arith.index_cast %add3A_66 : i32 to index
      %swap3A_159 = arith.constant 64 : index
      %swap3A_160 = tpu.vector_load %arg8[%swap3A_158, %swap3A_159] {strides = array<i32>} : memref<125x80xi32, #tpu.memory_space<vmem>>, vector<1x16xi32>,
      %swap3A_161 = vector.shape_cast %swap3A_160 : vector<1x16xi32> to vector<16xi32>
      %swap3A_162 = vector.shape_cast %and3A_157 : vector<16xi32> to vector<1x16xi32>
      tpu.vector_store %arg8[%swap3A_158, %swap3A_159], %swap3A_162 {strides = array<i32>} : memref<125x80xi32, #tpu.memory_space<vmem>>, vector<1x16xi32>,
    }
    %scan3A_8 = arith.constant 125 : i32
    %barrier3A = arith.constant 0 : index
    tpu.barrier barrier_id(%barrier3A)
    %dma_start3A = arith.constant 0 : i32
    %dma_start3A_9 = arith.constant 0 : i32
    %dma_start3A_10 = tpu.memref_slice %arg7[%dma_start3A, %dma_start3A_9] : memref<125x80xi32, #tpu.memory_space<vmem>> -> memref<1x80xi32, #tpu.memory_space<vmem>>
    %dma_start3A_11 = tpu.memref_squeeze %dma_start3A_10 : memref<1x80xi32, #tpu.memory_space<vmem>> -> memref<80xi32, #tpu.memory_space<vmem>>
    %dma_start3A_12 = arith.constant 0 : i32
    %dma_start3A_13 = arith.constant 0 : i32
    %dma_start3A_14 = tpu.memref_slice %arg2[%dma_start3A_12, %dma_start3A_13] : memref<90000x128xf32, #tpu.memory_space<hbm>> -> memref<90000x128xf32, #tpu.memory_space<hbm>>
    tpu.enqueue_indirect_dma source(%dma_start3A_14 : memref<90000x128xf32, #tpu.memory_space<hbm>>) target(%arg9 : memref<80x128xf32, #tpu.memory_space<vmem>>) offsets(%dma_start3A_11 : memref<80xi32, #tpu.memory_space<vmem>>) semaphore(%arg12 : memref<!tpu.dma_semaphore, #tpu.memory_space<semaphore_mem>>)
    %dma_start3A_15 = arith.constant 1 : i32
    %dma_start3A_16 = arith.constant 0 : i32
    %dma_start3A_17 = tpu.memref_slice %arg7[%dma_start3A_15, %dma_start3A_16] : memref<125x80xi32, #tpu.memory_space<vmem>> -> memref<1x80xi32, #tpu.memory_space<vmem>>
    %dma_start3A_18 = tpu.memref_squeeze %dma_start3A_17 : memref<1x80xi32, #tpu.memory_space<vmem>> -> memref<80xi32, #tpu.memory_space<vmem>>
    %dma_start3A_19 = arith.constant 0 : i32
    %dma_start3A_20 = arith.constant 0 : i32
    %dma_start3A_21 = tpu.memref_slice %arg2[%dma_start3A_19, %dma_start3A_20] : memref<90000x128xf32, #tpu.memory_space<hbm>> -> memref<90000x128xf32, #tpu.memory_space<hbm>>
    tpu.enqueue_indirect_dma source(%dma_start3A_21 : memref<90000x128xf32, #tpu.memory_space<hbm>>) target(%arg10 : memref<80x128xf32, #tpu.memory_space<vmem>>) offsets(%dma_start3A_18 : memref<80xi32, #tpu.memory_space<vmem>>) semaphore(%arg13 : memref<!tpu.dma_semaphore, #tpu.memory_space<semaphore_mem>>)
    %scan3A_22 = arith.constant 0 : i32
    %scan3A_23 = arith.constant 61 : i32
    %scan3A_24 = arith.addi %scan3A_22, %scan3A_23 : i32
    %scan3A_25 = arith.constant 1 : i32
    scf.for %scan3A_62 = %scan3A_22 to %scan3A_24 step %scan3A_25  : i32 {
      %mul3A_63 = arith.constant 2 : i32
      %mul3A_64 = arith.muli %scan3A_62, %mul3A_63 : i32
      %add3A_65 = arith.constant 0 : i32
      %add3A_66 = arith.addi %add3A_65, %mul3A_64 : i32
      %dma_wait3A_67 = arith.constant 0 : i32
      %dma_wait3A_68 = tpu.memref_slice %arg7[%add3A_66, %dma_wait3A_67] : memref<125x80xi32, #tpu.memory_space<vmem>> -> memref<1x80xi32, #tpu.memory_space<vmem>>
      %dma_wait3A_69 = tpu.memref_squeeze %dma_wait3A_68 : memref<1x80xi32, #tpu.memory_space<vmem>> -> memref<80xi32, #tpu.memory_space<vmem>>
      %dma_wait3A_70 = arith.constant 0 : i32
      %dma_wait3A_71 = arith.constant 0 : i32
      %dma_wait3A_72 = tpu.memref_slice %arg2[%dma_wait3A_70, %dma_wait3A_71] : memref<90000x128xf32, #tpu.memory_space<hbm>> -> memref<90000x128xf32, #tpu.memory_space<hbm>>
      tpu.wait_indirect_dma semaphore(%arg12 : memref<!tpu.dma_semaphore, #tpu.memory_space<semaphore_mem>>) src(%dma_wait3A_72 : memref<90000x128xf32, #tpu.memory_space<hbm>>) dst(%arg9 : memref<80x128xf32, #tpu.memory_space<vmem>>)
      %dma_start3A_73 = arith.constant 0 : i32
      %dma_start3A_74 = tpu.memref_slice %arg8[%add3A_66, %dma_start3A_73] : memref<125x80xi32, #tpu.memory_space<vmem>> -> memref<1x80xi32, #tpu.memory_space<vmem>>
      %dma_start3A_75 = tpu.memref_squeeze %dma_start3A_74 : memref<1x80xi32, #tpu.memory_space<vmem>> -> memref<80xi32, #tpu.memory_space<vmem>>
      %dma_start3A_76 = arith.constant 0 : i32
      %dma_start3A_77 = arith.constant 0 : i32
      %dma_start3A_78 = tpu.memref_slice %arg11[%dma_start3A_76, %dma_start3A_77] : memref<10000x128xf32, #tpu.memory_space<vmem_shared>> -> memref<10000x128xf32, #tpu.memory_space<vmem_shared>>
      tpu.enqueue_indirect_dma source(%arg9 : memref<80x128xf32, #tpu.memory_space<vmem>>) target(%dma_start3A_78 : memref<10000x128xf32, #tpu.memory_space<vmem_shared>>) offsets(%dma_start3A_75 : memref<80xi32, #tpu.memory_space<vmem>>) semaphore(%arg14 : memref<!tpu.dma_semaphore, #tpu.memory_space<semaphore_mem>>) {add = true}
      %add3A_79 = arith.constant 1 : i32
      %add3A_80 = arith.addi %add3A_66, %add3A_79 : i32
      %dma_wait3A_81 = arith.constant 0 : i32
      %dma_wait3A_82 = tpu.memref_slice %arg7[%add3A_80, %dma_wait3A_81] : memref<125x80xi32, #tpu.memory_space<vmem>> -> memref<1x80xi32, #tpu.memory_space<vmem>>
      %dma_wait3A_83 = tpu.memref_squeeze %dma_wait3A_82 : memref<1x80xi32, #tpu.memory_space<vmem>> -> memref<80xi32, #tpu.memory_space<vmem>>
      %dma_wait3A_84 = arith.constant 0 : i32
      %dma_wait3A_85 = arith.constant 0 : i32
      %dma_wait3A_86 = tpu.memref_slice %arg2[%dma_wait3A_84, %dma_wait3A_85] : memref<90000x128xf32, #tpu.memory_space<hbm>> -> memref<90000x128xf32, #tpu.memory_space<hbm>>
      tpu.wait_indirect_dma semaphore(%arg13 : memref<!tpu.dma_semaphore, #tpu.memory_space<semaphore_mem>>) src(%dma_wait3A_86 : memref<90000x128xf32, #tpu.memory_space<hbm>>) dst(%arg10 : memref<80x128xf32, #tpu.memory_space<vmem>>)
      %add3A_87 = arith.constant 1 : i32
      %add3A_88 = arith.addi %add3A_66, %add3A_87 : i32
      %dma_start3A_89 = arith.constant 0 : i32
      %dma_start3A_90 = tpu.memref_slice %arg8[%add3A_88, %dma_start3A_89] : memref<125x80xi32, #tpu.memory_space<vmem>> -> memref<1x80xi32, #tpu.memory_space<vmem>>
      %dma_start3A_91 = tpu.memref_squeeze %dma_start3A_90 : memref<1x80xi32, #tpu.memory_space<vmem>> -> memref<80xi32, #tpu.memory_space<vmem>>
      %dma_start3A_92 = arith.constant 0 : i32
      %dma_start3A_93 = arith.constant 0 : i32
      %dma_start3A_94 = tpu.memref_slice %arg11[%dma_start3A_92, %dma_start3A_93] : memref<10000x128xf32, #tpu.memory_space<vmem_shared>> -> memref<10000x128xf32, #tpu.memory_space<vmem_shared>>
      tpu.enqueue_indirect_dma source(%arg10 : memref<80x128xf32, #tpu.memory_space<vmem>>) target(%dma_start3A_94 : memref<10000x128xf32, #tpu.memory_space<vmem_shared>>) offsets(%dma_start3A_91 : memref<80xi32, #tpu.memory_space<vmem>>) semaphore(%arg15 : memref<!tpu.dma_semaphore, #tpu.memory_space<semaphore_mem>>) {add = true}
      %dma_wait3A_95 = arith.constant 0 : i32
      %dma_wait3A_96 = tpu.memref_slice %arg8[%add3A_66, %dma_wait3A_95] : memref<125x80xi32, #tpu.memory_space<vmem>> -> memref<1x80xi32, #tpu.memory_space<vmem>>
      %dma_wait3A_97 = tpu.memref_squeeze %dma_wait3A_96 : memref<1x80xi32, #tpu.memory_space<vmem>> -> memref<80xi32, #tpu.memory_space<vmem>>
      %dma_wait3A_98 = arith.constant 0 : i32
      %dma_wait3A_99 = arith.constant 0 : i32
      %dma_wait3A_100 = tpu.memref_slice %arg11[%dma_wait3A_98, %dma_wait3A_99] : memref<10000x128xf32, #tpu.memory_space<vmem_shared>> -> memref<10000x128xf32, #tpu.memory_space<vmem_shared>>
      tpu.wait_indirect_dma semaphore(%arg14 : memref<!tpu.dma_semaphore, #tpu.memory_space<semaphore_mem>>) src(%arg9 : memref<80x128xf32, #tpu.memory_space<vmem>>) dst(%dma_wait3A_100 : memref<10000x128xf32, #tpu.memory_space<vmem_shared>>)
      %add3A_101 = arith.constant 2 : i32
      %add3A_102 = arith.addi %add3A_66, %add3A_101 : i32
      %dma_start3A_103 = arith.constant 0 : i32
      %dma_start3A_104 = tpu.memref_slice %arg7[%add3A_102, %dma_start3A_103] : memref<125x80xi32, #tpu.memory_space<vmem>> -> memref<1x80xi32, #tpu.memory_space<vmem>>
      %dma_start3A_105 = tpu.memref_squeeze %dma_start3A_104 : memref<1x80xi32, #tpu.memory_space<vmem>> -> memref<80xi32, #tpu.memory_space<vmem>>
      %dma_start3A_106 = arith.constant 0 : i32
      %dma_start3A_107 = arith.constant 0 : i32
      %dma_start3A_108 = tpu.memref_slice %arg2[%dma_start3A_106, %dma_start3A_107] : memref<90000x128xf32, #tpu.memory_space<hbm>> -> memref<90000x128xf32, #tpu.memory_space<hbm>>
      tpu.enqueue_indirect_dma source(%dma_start3A_108 : memref<90000x128xf32, #tpu.memory_space<hbm>>) target(%arg9 : memref<80x128xf32, #tpu.memory_space<vmem>>) offsets(%dma_start3A_105 : memref<80xi32, #tpu.memory_space<vmem>>) semaphore(%arg12 : memref<!tpu.dma_semaphore, #tpu.memory_space<semaphore_mem>>)
      %add3A_109 = arith.constant 1 : i32
      %add3A_110 = arith.addi %add3A_66, %add3A_109 : i32
      %dma_wait3A_111 = arith.constant 0 : i32
      %dma_wait3A_112 = tpu.memref_slice %arg8[%add3A_110, %dma_wait3A_111] : memref<125x80xi32, #tpu.memory_space<vmem>> -> memref<1x80xi32, #tpu.memory_space<vmem>>
      %dma_wait3A_113 = tpu.memref_squeeze %dma_wait3A_112 : memref<1x80xi32, #tpu.memory_space<vmem>> -> memref<80xi32, #tpu.memory_space<vmem>>
      %dma_wait3A_114 = arith.constant 0 : i32
      %dma_wait3A_115 = arith.constant 0 : i32
      %dma_wait3A_116 = tpu.memref_slice %arg11[%dma_wait3A_114, %dma_wait3A_115] : memref<10000x128xf32, #tpu.memory_space<vmem_shared>> -> memref<10000x128xf32, #tpu.memory_space<vmem_shared>>
      tpu.wait_indirect_dma semaphore(%arg15 : memref<!tpu.dma_semaphore, #tpu.memory_space<semaphore_mem>>) src(%arg10 : memref<80x128xf32, #tpu.memory_space<vmem>>) dst(%dma_wait3A_116 : memref<10000x128xf32, #tpu.memory_space<vmem_shared>>)
      %add3A_117 = arith.constant 3 : i32
      %add3A_118 = arith.addi %add3A_66, %add3A_117 : i32
      %dma_start3A_119 = arith.constant 0 : i32
      %dma_start3A_120 = tpu.memref_slice %arg7[%add3A_118, %dma_start3A_119] : memref<125x80xi32, #tpu.memory_space<vmem>> -> memref<1x80xi32, #tpu.memory_space<vmem>>
      %dma_start3A_121 = tpu.memref_squeeze %dma_start3A_120 : memref<1x80xi32, #tpu.memory_space<vmem>> -> memref<80xi32, #tpu.memory_space<vmem>>
      %dma_start3A_122 = arith.constant 0 : i32
      %dma_start3A_123 = arith.constant 0 : i32
      %dma_start3A_124 = tpu.memref_slice %arg2[%dma_start3A_122, %dma_start3A_123] : memref<90000x128xf32, #tpu.memory_space<hbm>> -> memref<90000x128xf32, #tpu.memory_space<hbm>>
      tpu.enqueue_indirect_dma source(%dma_start3A_124 : memref<90000x128xf32, #tpu.memory_space<hbm>>) target(%arg10 : memref<80x128xf32, #tpu.memory_space<vmem>>) offsets(%dma_start3A_121 : memref<80xi32, #tpu.memory_space<vmem>>) semaphore(%arg13 : memref<!tpu.dma_semaphore, #tpu.memory_space<semaphore_mem>>)
    }
    %scan3A_26 = arith.constant 61 : i32
    %dma_wait3A = arith.constant 122 : i32
    %dma_wait3A_27 = arith.constant 0 : i32
    %dma_wait3A_28 = tpu.memref_slice %arg7[%dma_wait3A, %dma_wait3A_27] : memref<125x80xi32, #tpu.memory_space<vmem>> -> memref<1x80xi32, #tpu.memory_space<vmem>>
    %dma_wait3A_29 = tpu.memref_squeeze %dma_wait3A_28 : memref<1x80xi32, #tpu.memory_space<vmem>> -> memref<80xi32, #tpu.memory_space<vmem>>
    %dma_wait3A_30 = arith.constant 0 : i32
    %dma_wait3A_31 = arith.constant 0 : i32
    %dma_wait3A_32 = tpu.memref_slice %arg2[%dma_wait3A_30, %dma_wait3A_31] : memref<90000x128xf32, #tpu.memory_space<hbm>> -> memref<90000x128xf32, #tpu.memory_space<hbm>>
    tpu.wait_indirect_dma semaphore(%arg12 : memref<!tpu.dma_semaphore, #tpu.memory_space<semaphore_mem>>) src(%dma_wait3A_32 : memref<90000x128xf32, #tpu.memory_space<hbm>>) dst(%arg9 : memref<80x128xf32, #tpu.memory_space<vmem>>)
    %run_scoped3A = arith.constant 122 : i32
    "tpu.region"() ({
      %run_scoped3A_62 = tpu.sem_alloc : memref<!tpu.dma_semaphore, #tpu.memory_space<semaphore_mem>>
      %dma_start3A_63 = arith.constant 0 : i32
      %dma_start3A_64 = tpu.memref_slice %arg8[%run_scoped3A, %dma_start3A_63] : memref<125x80xi32, #tpu.memory_space<vmem>> -> memref<1x80xi32, #tpu.memory_space<vmem>>
      %dma_start3A_65 = tpu.memref_squeeze %dma_start3A_64 : memref<1x80xi32, #tpu.memory_space<vmem>> -> memref<80xi32, #tpu.memory_space<vmem>>
      %dma_start3A_66 = arith.constant 0 : i32
      %dma_start3A_67 = arith.constant 0 : i32
      %dma_start3A_68 = tpu.memref_slice %arg11[%dma_start3A_66, %dma_start3A_67] : memref<10000x128xf32, #tpu.memory_space<vmem_shared>> -> memref<10000x128xf32, #tpu.memory_space<vmem_shared>>
      tpu.enqueue_indirect_dma source(%arg9 : memref<80x128xf32, #tpu.memory_space<vmem>>) target(%dma_start3A_68 : memref<10000x128xf32, #tpu.memory_space<vmem_shared>>) offsets(%dma_start3A_65 : memref<80xi32, #tpu.memory_space<vmem>>) semaphore(%run_scoped3A_62 : memref<!tpu.dma_semaphore, #tpu.memory_space<semaphore_mem>>) {add = true}
      %dma_wait3A_69 = arith.constant 0 : i32
      %dma_wait3A_70 = tpu.memref_slice %arg8[%run_scoped3A, %dma_wait3A_69] : memref<125x80xi32, #tpu.memory_space<vmem>> -> memref<1x80xi32, #tpu.memory_space<vmem>>
      %dma_wait3A_71 = tpu.memref_squeeze %dma_wait3A_70 : memref<1x80xi32, #tpu.memory_space<vmem>> -> memref<80xi32, #tpu.memory_space<vmem>>
      %dma_wait3A_72 = arith.constant 0 : i32
      %dma_wait3A_73 = arith.constant 0 : i32
      %dma_wait3A_74 = tpu.memref_slice %arg11[%dma_wait3A_72, %dma_wait3A_73] : memref<10000x128xf32, #tpu.memory_space<vmem_shared>> -> memref<10000x128xf32, #tpu.memory_space<vmem_shared>>
      tpu.wait_indirect_dma semaphore(%run_scoped3A_62 : memref<!tpu.dma_semaphore, #tpu.memory_space<semaphore_mem>>) src(%arg9 : memref<80x128xf32, #tpu.memory_space<vmem>>) dst(%dma_wait3A_74 : memref<10000x128xf32, #tpu.memory_space<vmem_shared>>)
      tpu.yield
    }) : () -> ()
    %dma_wait3A_33 = arith.constant 123 : i32
    %dma_wait3A_34 = arith.constant 0 : i32
    %dma_wait3A_35 = tpu.memref_slice %arg7[%dma_wait3A_33, %dma_wait3A_34] : memref<125x80xi32, #tpu.memory_space<vmem>> -> memref<1x80xi32, #tpu.memory_space<vmem>>
    %dma_wait3A_36 = tpu.memref_squeeze %dma_wait3A_35 : memref<1x80xi32, #tpu.memory_space<vmem>> -> memref<80xi32, #tpu.memory_space<vmem>>
    %dma_wait3A_37 = arith.constant 0 : i32
    %dma_wait3A_38 = arith.constant 0 : i32
    %dma_wait3A_39 = tpu.memref_slice %arg2[%dma_wait3A_37, %dma_wait3A_38] : memref<90000x128xf32, #tpu.memory_space<hbm>> -> memref<90000x128xf32, #tpu.memory_space<hbm>>
    tpu.wait_indirect_dma semaphore(%arg13 : memref<!tpu.dma_semaphore, #tpu.memory_space<semaphore_mem>>) src(%dma_wait3A_39 : memref<90000x128xf32, #tpu.memory_space<hbm>>) dst(%arg10 : memref<80x128xf32, #tpu.memory_space<vmem>>)
    %run_scoped3A_40 = arith.constant 123 : i32
    "tpu.region"() ({
      %run_scoped3A_62 = tpu.sem_alloc : memref<!tpu.dma_semaphore, #tpu.memory_space<semaphore_mem>>
      %dma_start3A_63 = arith.constant 0 : i32
      %dma_start3A_64 = tpu.memref_slice %arg8[%run_scoped3A_40, %dma_start3A_63] : memref<125x80xi32, #tpu.memory_space<vmem>> -> memref<1x80xi32, #tpu.memory_space<vmem>>
      %dma_start3A_65 = tpu.memref_squeeze %dma_start3A_64 : memref<1x80xi32, #tpu.memory_space<vmem>> -> memref<80xi32, #tpu.memory_space<vmem>>
      %dma_start3A_66 = arith.constant 0 : i32
      %dma_start3A_67 = arith.constant 0 : i32
      %dma_start3A_68 = tpu.memref_slice %arg11[%dma_start3A_66, %dma_start3A_67] : memref<10000x128xf32, #tpu.memory_space<vmem_shared>> -> memref<10000x128xf32, #tpu.memory_space<vmem_shared>>
      tpu.enqueue_indirect_dma source(%arg10 : memref<80x128xf32, #tpu.memory_space<vmem>>) target(%dma_start3A_68 : memref<10000x128xf32, #tpu.memory_space<vmem_shared>>) offsets(%dma_start3A_65 : memref<80xi32, #tpu.memory_space<vmem>>) semaphore(%run_scoped3A_62 : memref<!tpu.dma_semaphore, #tpu.memory_space<semaphore_mem>>) {add = true}
      %dma_wait3A_69 = arith.constant 0 : i32
      %dma_wait3A_70 = tpu.memref_slice %arg8[%run_scoped3A_40, %dma_wait3A_69] : memref<125x80xi32, #tpu.memory_space<vmem>> -> memref<1x80xi32, #tpu.memory_space<vmem>>
      %dma_wait3A_71 = tpu.memref_squeeze %dma_wait3A_70 : memref<1x80xi32, #tpu.memory_space<vmem>> -> memref<80xi32, #tpu.memory_space<vmem>>
      %dma_wait3A_72 = arith.constant 0 : i32
      %dma_wait3A_73 = arith.constant 0 : i32
      %dma_wait3A_74 = tpu.memref_slice %arg11[%dma_wait3A_72, %dma_wait3A_73] : memref<10000x128xf32, #tpu.memory_space<vmem_shared>> -> memref<10000x128xf32, #tpu.memory_space<vmem_shared>>
      tpu.wait_indirect_dma semaphore(%run_scoped3A_62 : memref<!tpu.dma_semaphore, #tpu.memory_space<semaphore_mem>>) src(%arg10 : memref<80x128xf32, #tpu.memory_space<vmem>>) dst(%dma_wait3A_74 : memref<10000x128xf32, #tpu.memory_space<vmem_shared>>)
      tpu.yield
    }) : () -> ()
    %dma_start3A_41 = arith.constant 124 : i32
    %dma_start3A_42 = arith.constant 0 : i32
    %dma_start3A_43 = tpu.memref_slice %arg7[%dma_start3A_41, %dma_start3A_42] : memref<125x80xi32, #tpu.memory_space<vmem>> -> memref<1x80xi32, #tpu.memory_space<vmem>>
    %dma_start3A_44 = tpu.memref_squeeze %dma_start3A_43 : memref<1x80xi32, #tpu.memory_space<vmem>> -> memref<80xi32, #tpu.memory_space<vmem>>
    %dma_start3A_45 = arith.constant 0 : i32
    %dma_start3A_46 = arith.constant 0 : i32
    %dma_start3A_47 = tpu.memref_slice %arg2[%dma_start3A_45, %dma_start3A_46] : memref<90000x128xf32, #tpu.memory_space<hbm>> -> memref<90000x128xf32, #tpu.memory_space<hbm>>
    tpu.enqueue_indirect_dma source(%dma_start3A_47 : memref<90000x128xf32, #tpu.memory_space<hbm>>) target(%arg9 : memref<80x128xf32, #tpu.memory_space<vmem>>) offsets(%dma_start3A_44 : memref<80xi32, #tpu.memory_space<vmem>>) semaphore(%arg12 : memref<!tpu.dma_semaphore, #tpu.memory_space<semaphore_mem>>)
    %dma_wait3A_48 = arith.constant 124 : i32
    %dma_wait3A_49 = arith.constant 0 : i32
    %dma_wait3A_50 = tpu.memref_slice %arg7[%dma_wait3A_48, %dma_wait3A_49] : memref<125x80xi32, #tpu.memory_space<vmem>> -> memref<1x80xi32, #tpu.memory_space<vmem>>
    %dma_wait3A_51 = tpu.memref_squeeze %dma_wait3A_50 : memref<1x80xi32, #tpu.memory_space<vmem>> -> memref<80xi32, #tpu.memory_space<vmem>>
    %dma_wait3A_52 = arith.constant 0 : i32
    %dma_wait3A_53 = arith.constant 0 : i32
    %dma_wait3A_54 = tpu.memref_slice %arg2[%dma_wait3A_52, %dma_wait3A_53] : memref<90000x128xf32, #tpu.memory_space<hbm>> -> memref<90000x128xf32, #tpu.memory_space<hbm>>
    tpu.wait_indirect_dma semaphore(%arg12 : memref<!tpu.dma_semaphore, #tpu.memory_space<semaphore_mem>>) src(%dma_wait3A_54 : memref<90000x128xf32, #tpu.memory_space<hbm>>) dst(%arg9 : memref<80x128xf32, #tpu.memory_space<vmem>>)
    %run_scoped3A_55 = arith.constant 124 : i32
    "tpu.region"() ({
      %run_scoped3A_62 = tpu.sem_alloc : memref<!tpu.dma_semaphore, #tpu.memory_space<semaphore_mem>>
      %dma_start3A_63 = arith.constant 0 : i32
      %dma_start3A_64 = tpu.memref_slice %arg8[%run_scoped3A_55, %dma_start3A_63] : memref<125x80xi32, #tpu.memory_space<vmem>> -> memref<1x80xi32, #tpu.memory_space<vmem>>
      %dma_start3A_65 = tpu.memref_squeeze %dma_start3A_64 : memref<1x80xi32, #tpu.memory_space<vmem>> -> memref<80xi32, #tpu.memory_space<vmem>>
      %dma_start3A_66 = arith.constant 0 : i32
      %dma_start3A_67 = arith.constant 0 : i32
      %dma_start3A_68 = tpu.memref_slice %arg11[%dma_start3A_66, %dma_start3A_67] : memref<10000x128xf32, #tpu.memory_space<vmem_shared>> -> memref<10000x128xf32, #tpu.memory_space<vmem_shared>>
      tpu.enqueue_indirect_dma source(%arg9 : memref<80x128xf32, #tpu.memory_space<vmem>>) target(%dma_start3A_68 : memref<10000x128xf32, #tpu.memory_space<vmem_shared>>) offsets(%dma_start3A_65 : memref<80xi32, #tpu.memory_space<vmem>>) semaphore(%run_scoped3A_62 : memref<!tpu.dma_semaphore, #tpu.memory_space<semaphore_mem>>) {add = true}
      %dma_wait3A_69 = arith.constant 0 : i32
      %dma_wait3A_70 = tpu.memref_slice %arg8[%run_scoped3A_55, %dma_wait3A_69] : memref<125x80xi32, #tpu.memory_space<vmem>> -> memref<1x80xi32, #tpu.memory_space<vmem>>
      %dma_wait3A_71 = tpu.memref_squeeze %dma_wait3A_70 : memref<1x80xi32, #tpu.memory_space<vmem>> -> memref<80xi32, #tpu.memory_space<vmem>>
      %dma_wait3A_72 = arith.constant 0 : i32
      %dma_wait3A_73 = arith.constant 0 : i32
      %dma_wait3A_74 = tpu.memref_slice %arg11[%dma_wait3A_72, %dma_wait3A_73] : memref<10000x128xf32, #tpu.memory_space<vmem_shared>> -> memref<10000x128xf32, #tpu.memory_space<vmem_shared>>
      tpu.wait_indirect_dma semaphore(%run_scoped3A_62 : memref<!tpu.dma_semaphore, #tpu.memory_space<semaphore_mem>>) src(%arg9 : memref<80x128xf32, #tpu.memory_space<vmem>>) dst(%dma_wait3A_74 : memref<10000x128xf32, #tpu.memory_space<vmem_shared>>)
      tpu.yield
    }) : () -> ()
    %barrier3A_56 = arith.constant 0 : index
    tpu.barrier barrier_id(%barrier3A_56)
    "tpu.region"() ({
      %run_scoped3A_62 = tpu.sem_alloc : memref<!tpu.dma_semaphore, #tpu.memory_space<semaphore_mem>>
      %dma_start3A_63 = arith.constant 0 : i32
      %dma_start3A_64 = tpu.memref_slice %arg5[%arg0, %mul3A_2, %dma_start3A_63] : memref<2x10000x128xf32, #tpu.memory_space<hbm>> -> memref<1x624x128xf32, #tpu.memory_space<hbm>>
      %dma_start3A_65 = tpu.memref_squeeze %dma_start3A_64 : memref<1x624x128xf32, #tpu.memory_space<hbm>> -> memref<624x128xf32, #tpu.memory_space<hbm>>
      %dma_start3A_66 = arith.constant 0 : i32
      %dma_start3A_67 = tpu.memref_slice %arg11[%mul3A_2, %dma_start3A_66] : memref<10000x128xf32, #tpu.memory_space<vmem_shared>> -> memref<624x128xf32, #tpu.memory_space<vmem_shared>>
      tpu.enqueue_dma source(%dma_start3A_67 : memref<624x128xf32, #tpu.memory_space<vmem_shared>>) target(%dma_start3A_65 : memref<624x128xf32, #tpu.memory_space<hbm>>) target_semaphore(%run_scoped3A_62 : memref<!tpu.dma_semaphore, #tpu.memory_space<semaphore_mem>>)
      %dma_wait3A_68 = arith.constant 0 : i32
      %dma_wait3A_69 = tpu.memref_slice %arg5[%arg0, %mul3A_2, %dma_wait3A_68] : memref<2x10000x128xf32, #tpu.memory_space<hbm>> -> memref<1x624x128xf32, #tpu.memory_space<hbm>>
      %dma_wait3A_70 = tpu.memref_squeeze %dma_wait3A_69 : memref<1x624x128xf32, #tpu.memory_space<hbm>> -> memref<624x128xf32, #tpu.memory_space<hbm>>
      %dma_wait3A_71 = arith.constant 0 : i32
      %dma_wait3A_72 = tpu.memref_slice %arg11[%mul3A_2, %dma_wait3A_71] : memref<10000x128xf32, #tpu.memory_space<vmem_shared>> -> memref<624x128xf32, #tpu.memory_space<vmem_shared>>
      tpu.wait_dma2 semaphore(%run_scoped3A_62 : memref<!tpu.dma_semaphore, #tpu.memory_space<semaphore_mem>>) src(%dma_wait3A_72 : memref<624x128xf32, #tpu.memory_space<vmem_shared>>) dst(%dma_wait3A_70 : memref<624x128xf32, #tpu.memory_space<hbm>>)
      tpu.yield
    }) : () -> ()
    %eq3A_57 = arith.constant 15 : i32
    %eq3A_58 = arith.cmpi eq, %arg1, %eq3A_57 : i32
    %convert_element_type3A_59 = arith.extui %eq3A_58 : i1 to i32
    %cond3A_60 = arith.constant 0 : i32
    %cond3A_61 = arith.cmpi ne, %convert_element_type3A_59, %cond3A_60 : i32
    scf.if %cond3A_61 {
      "tpu.region"() ({
        %run_scoped3A_62 = tpu.sem_alloc : memref<!tpu.dma_semaphore, #tpu.memory_space<semaphore_mem>>
        %dma_start3A_63 = arith.constant 9984 : i32
        %dma_start3A_64 = arith.constant 0 : i32
        %dma_start3A_65 = tpu.memref_slice %arg5[%arg0, %dma_start3A_63, %dma_start3A_64] : memref<2x10000x128xf32, #tpu.memory_space<hbm>> -> memref<1x16x128xf32, #tpu.memory_space<hbm>>
        %dma_start3A_66 = tpu.memref_squeeze %dma_start3A_65 : memref<1x16x128xf32, #tpu.memory_space<hbm>> -> memref<16x128xf32, #tpu.memory_space<hbm>>
        %dma_start3A_67 = arith.constant 9984 : i32
        %dma_start3A_68 = arith.constant 0 : i32
        %dma_start3A_69 = tpu.memref_slice %arg11[%dma_start3A_67, %dma_start3A_68] : memref<10000x128xf32, #tpu.memory_space<vmem_shared>> -> memref<16x128xf32, #tpu.memory_space<vmem_shared>>
        tpu.enqueue_dma source(%dma_start3A_69 : memref<16x128xf32, #tpu.memory_space<vmem_shared>>) target(%dma_start3A_66 : memref<16x128xf32, #tpu.memory_space<hbm>>) target_semaphore(%run_scoped3A_62 : memref<!tpu.dma_semaphore, #tpu.memory_space<semaphore_mem>>)
        %dma_wait3A_70 = arith.constant 9984 : i32
        %dma_wait3A_71 = arith.constant 0 : i32
        %dma_wait3A_72 = tpu.memref_slice %arg5[%arg0, %dma_wait3A_70, %dma_wait3A_71] : memref<2x10000x128xf32, #tpu.memory_space<hbm>> -> memref<1x16x128xf32, #tpu.memory_space<hbm>>
        %dma_wait3A_73 = tpu.memref_squeeze %dma_wait3A_72 : memref<1x16x128xf32, #tpu.memory_space<hbm>> -> memref<16x128xf32, #tpu.memory_space<hbm>>
        %dma_wait3A_74 = arith.constant 9984 : i32
        %dma_wait3A_75 = arith.constant 0 : i32
        %dma_wait3A_76 = tpu.memref_slice %arg11[%dma_wait3A_74, %dma_wait3A_75] : memref<10000x128xf32, #tpu.memory_space<vmem_shared>> -> memref<16x128xf32, #tpu.memory_space<vmem_shared>>
        tpu.wait_dma2 semaphore(%run_scoped3A_62 : memref<!tpu.dma_semaphore, #tpu.memory_space<semaphore_mem>>) src(%dma_wait3A_76 : memref<16x128xf32, #tpu.memory_space<vmem_shared>>) dst(%dma_wait3A_73 : memref<16x128xf32, #tpu.memory_space<hbm>>)
        tpu.yield
      }) : () -> ()
    } else {
    }
    return
  }
}

module attributes {stable_mosaic.version = 14 : i64} {
  func.func @_combine_body(%arg0: i32, %arg1: memref<2x10000x128xf32, #tpu.memory_space<vmem>>, %arg2: memref<1x128xf32, #tpu.memory_space<vmem>>, %arg3: memref<10000x128xf32, #tpu.memory_space<vmem>>) attributes {dimension_semantics = [#tpu.dimension_semantics<arbitrary>], iteration_bounds = array<i64: 1>, scalar_prefetch = 0 : i64, scratch_operands = 0 : i64, tpu.core_type = #tpu.core_type<tc>, window_params = [{transform_indices = @transform_0, window_bounds = array<i64: 2, 10000, 128>}, {pipeline_mode = #tpu.pipeline_mode<synchronous>, transform_indices = @transform_1, window_bounds = array<i64: 1, 128>}, {transform_indices = @transform_2, window_bounds = array<i64: 10000, 128>}]} {
    %get3A = arith.constant 0 : index
    %get3A_0 = arith.constant 0 : index
    %get3A_1 = arith.constant 0 : index
    %get3A_2 = vector.load %arg1[%get3A, %get3A_0, %get3A_1] : memref<2x10000x128xf32, #tpu.memory_space<vmem>>, vector<1x10000x128xf32>
    %get3A_3 = vector.shape_cast %get3A_2 : vector<1x10000x128xf32> to vector<10000x128xf32>
    %get3A_4 = arith.constant 1 : index
    %get3A_5 = arith.constant 0 : index
    %get3A_6 = arith.constant 0 : index
    %get3A_7 = vector.load %arg1[%get3A_4, %get3A_5, %get3A_6] : memref<2x10000x128xf32, #tpu.memory_space<vmem>>, vector<1x10000x128xf32>
    %get3A_8 = vector.shape_cast %get3A_7 : vector<1x10000x128xf32> to vector<10000x128xf32>
    %add3A = arith.addf %get3A_3, %get3A_8 : vector<10000x128xf32>
    %get3A_9 = arith.constant 0 : index
    %get3A_10 = arith.constant 0 : index
    %get3A_11 = vector.load %arg2[%get3A_9, %get3A_10] : memref<1x128xf32, #tpu.memory_space<vmem>>, vector<1x128xf32>
    %get3A_12 = vector.shape_cast %get3A_11 : vector<1x128xf32> to vector<128xf32>
    %broadcast_in_dim3A = vector.shape_cast %get3A_12 : vector<128xf32> to vector<1x128xf32>
    %add3A_13 = vector.broadcast %broadcast_in_dim3A : vector<1x128xf32> to vector<10000x128xf32>
    %add3A_14 = arith.addf %add3A, %add3A_13 : vector<10000x128xf32>
    %swap3A = arith.constant 0 : index
    %swap3A_15 = arith.constant 0 : index
    %swap3A_16 = vector.load %arg3[%swap3A, %swap3A_15] : memref<10000x128xf32, #tpu.memory_space<vmem>>, vector<10000x128xf32>
    tpu.vector_store %arg3[%swap3A, %swap3A_15], %add3A_14 {strides = array<i32>} : memref<10000x128xf32, #tpu.memory_space<vmem>>, vector<10000x128xf32>,
    return
  }
  func.func @transform_0(%arg0: i32) -> (i32, i32, i32) {
    %c0_i32 = arith.constant 0 : i32
    %c0_i32_0 = arith.constant 0 : i32
    %c0_i32_1 = arith.constant 0 : i32
    return %c0_i32, %arg0, %c0_i32_0 : i32, i32, i32
  }
  func.func @transform_1(%arg0: i32) -> (i32, i32) {
    %c0_i32 = arith.constant 0 : i32
    %c0_i32_0 = arith.constant 0 : i32
    %c0_i32_1 = arith.constant 0 : i32
    return %c0_i32, %c0_i32_0 : i32, i32
  }
  func.func @transform_2(%arg0: i32) -> (i32, i32) {
    %c0_i32 = arith.constant 0 : i32
    %c0_i32_0 = arith.constant 0 : i32
    return %arg0, %c0_i32 : i32, i32
  }
}

module attributes {stable_mosaic.version = 14 : i64} {
  func.func @_xs_body(%arg0: i32, %arg1: i32, %arg2: memref<10000x128xf32, #tpu.memory_space<vmem>>, %arg3: memref<1x128x128xf32, #tpu.memory_space<vmem>>, %arg4: memref<2500x128xi32, #tpu.memory_space<vmem>>, %arg5: memref<2500x128xi32, #tpu.memory_space<vmem>>, %arg6: memref<2500x128xi32, #tpu.memory_space<vmem>>, %arg7: memref<1x10000x128xf32, #tpu.memory_space<vmem>>, %arg8: memref<2500x128xi32, #tpu.memory_space<vmem>>) attributes {dimension_semantics = [#tpu.dimension_semantics<arbitrary>, #tpu.dimension_semantics<arbitrary>], iteration_bounds = array<i64: 1, 9>, scalar_prefetch = 0 : i64, scratch_operands = 0 : i64, tpu.core_type = #tpu.core_type<tc>, window_params = [{transform_indices = @transform_0, window_bounds = array<i64: 10000, 128>}, {transform_indices = @transform_1, window_bounds = array<i64: 1, 128, 128>}, {pipeline_mode = #tpu.pipeline_mode<synchronous>, transform_indices = @transform_2, window_bounds = array<i64: 2500, 128>}, {pipeline_mode = #tpu.pipeline_mode<synchronous>, transform_indices = @transform_3, window_bounds = array<i64: 2500, 128>}, {pipeline_mode = #tpu.pipeline_mode<synchronous>, transform_indices = @transform_4, window_bounds = array<i64: 2500, 128>}, {transform_indices = @transform_5, window_bounds = array<i64: 1, 10000, 128>}, {pipeline_mode = #tpu.pipeline_mode<synchronous>, transform_indices = @transform_6, window_bounds = array<i64: 2500, 128>}]} {
    %get3A = arith.constant 0 : index
    %get3A_0 = arith.constant 0 : index
    %get3A_1 = vector.load %arg2[%get3A, %get3A_0] : memref<10000x128xf32, #tpu.memory_space<vmem>>, vector<10000x128xf32>
    %get3A_2 = arith.constant 0 : index
    %get3A_3 = arith.constant 0 : index
    %get3A_4 = arith.constant 0 : index
    %get3A_5 = vector.load %arg3[%get3A_2, %get3A_3, %get3A_4] : memref<1x128x128xf32, #tpu.memory_space<vmem>>, vector<1x128x128xf32>
    %get3A_6 = vector.shape_cast %get3A_5 : vector<1x128x128xf32> to vector<128x128xf32>
    %dot_general3A = arith.constant dense<0.000000e+00> : vector<10000x128xf32>
    %dot_general3A_7 = tpu.matmul %get3A_1, %get3A_6, %dot_general3A {dimension_numbers = #tpu.dot_dimension_numbers<[1], [0], [0], [1], [0, 0, 1, 1], [], []>, transpose_lhs_hint = false} : vector<10000x128xf32>, vector<128x128xf32>, vector<10000x128xf32> -> vector<10000x128xf32>
    %swap3A = arith.constant 0 : index
    %swap3A_8 = arith.constant 0 : index
    %swap3A_9 = arith.constant 0 : index
    %swap3A_10 = vector.load %arg7[%swap3A, %swap3A_8, %swap3A_9] : memref<1x10000x128xf32, #tpu.memory_space<vmem>>, vector<1x10000x128xf32>
    %swap3A_11 = vector.shape_cast %swap3A_10 : vector<1x10000x128xf32> to vector<10000x128xf32>
    %swap3A_12 = vector.shape_cast %dot_general3A_7 : vector<10000x128xf32> to vector<1x10000x128xf32>
    tpu.vector_store %arg7[%swap3A, %swap3A_8, %swap3A_9], %swap3A_12 {strides = array<i32>} : memref<1x10000x128xf32, #tpu.memory_space<vmem>>, vector<1x10000x128xf32>,
    %eq3A = arith.constant 0 : i32
    %eq3A_13 = arith.cmpi eq, %arg0, %eq3A : i32
    %eq3A_14 = arith.constant 0 : i32
    %eq3A_15 = arith.cmpi eq, %arg1, %eq3A_14 : i32
    %and3A = arith.andi %eq3A_13, %eq3A_15 : i1
    %convert_element_type3A = arith.extui %and3A : i1 to i32
    %cond3A = arith.constant 0 : i32
    %cond3A_16 = arith.cmpi ne, %convert_element_type3A, %cond3A : i32
    scf.if %cond3A_16 {
      %get3A_17 = arith.constant 0 : index
      %get3A_18 = arith.constant 0 : index
      %get3A_19 = vector.load %arg4[%get3A_17, %get3A_18] : memref<2500x128xi32, #tpu.memory_space<vmem>>, vector<2500x128xi32>
      %mul3A = arith.constant 10000 : i32
      %mul3A_20 = vector.broadcast %mul3A : i32 to vector<2500x128xi32>
      %mul3A_21 = arith.muli %get3A_19, %mul3A_20 : vector<2500x128xi32>
      %get3A_22 = arith.constant 0 : index
      %get3A_23 = arith.constant 0 : index
      %get3A_24 = vector.load %arg5[%get3A_22, %get3A_23] : memref<2500x128xi32, #tpu.memory_space<vmem>>, vector<2500x128xi32>
      %add3A = arith.addi %mul3A_21, %get3A_24 : vector<2500x128xi32>
      %shift_left3A = arith.constant 14 : i32
      %shift_left3A_25 = vector.broadcast %shift_left3A : i32 to vector<2500x128xi32>
      %shift_left3A_26 = arith.shli %add3A, %shift_left3A_25 : vector<2500x128xi32>
      %get3A_27 = arith.constant 0 : index
      %get3A_28 = arith.constant 0 : index
      %get3A_29 = vector.load %arg6[%get3A_27, %get3A_28] : memref<2500x128xi32, #tpu.memory_space<vmem>>, vector<2500x128xi32>
      %or3A = arith.ori %shift_left3A_26, %get3A_29 : vector<2500x128xi32>
      %swap3A_30 = arith.constant 0 : index
      %swap3A_31 = arith.constant 0 : index
      %swap3A_32 = vector.load %arg8[%swap3A_30, %swap3A_31] : memref<2500x128xi32, #tpu.memory_space<vmem>>, vector<2500x128xi32>
      tpu.vector_store %arg8[%swap3A_30, %swap3A_31], %or3A {strides = array<i32>} : memref<2500x128xi32, #tpu.memory_space<vmem>>, vector<2500x128xi32>,
    } else {
    }
    return
  }
  func.func @transform_0(%arg0: i32, %arg1: i32) -> (i32, i32) {
    %c0_i32 = arith.constant 0 : i32
    %c0_i32_0 = arith.constant 0 : i32
    return %arg0, %c0_i32 : i32, i32
  }
  func.func @transform_1(%arg0: i32, %arg1: i32) -> (i32, i32, i32) {
    %c0_i32 = arith.constant 0 : i32
    %c0_i32_0 = arith.constant 0 : i32
    %c0_i32_1 = arith.constant 0 : i32
    return %arg1, %c0_i32, %c0_i32_0 : i32, i32, i32
  }
  func.func @transform_2(%arg0: i32, %arg1: i32) -> (i32, i32) {
    %c0_i32 = arith.constant 0 : i32
    %c0_i32_0 = arith.constant 0 : i32
    %c0_i32_1 = arith.constant 0 : i32
    return %c0_i32, %c0_i32_0 : i32, i32
  }
  func.func @transform_3(%arg0: i32, %arg1: i32) -> (i32, i32) {
    %c0_i32 = arith.constant 0 : i32
    %c0_i32_0 = arith.constant 0 : i32
    %c0_i32_1 = arith.constant 0 : i32
    return %c0_i32, %c0_i32_0 : i32, i32
  }
  func.func @transform_4(%arg0: i32, %arg1: i32) -> (i32, i32) {
    %c0_i32 = arith.constant 0 : i32
    %c0_i32_0 = arith.constant 0 : i32
    %c0_i32_1 = arith.constant 0 : i32
    return %c0_i32, %c0_i32_0 : i32, i32
  }
  func.func @transform_5(%arg0: i32, %arg1: i32) -> (i32, i32, i32) {
    %c0_i32 = arith.constant 0 : i32
    %c0_i32_0 = arith.constant 0 : i32
    return %arg1, %arg0, %c0_i32 : i32, i32, i32
  }
  func.func @transform_6(%arg0: i32, %arg1: i32) -> (i32, i32) {
    %c0_i32 = arith.constant 0 : i32
    %c0_i32_0 = arith.constant 0 : i32
    %c0_i32_1 = arith.constant 0 : i32
    return %c0_i32, %c0_i32_0 : i32, i32
  }
}

</mosaic_0001>

<sc_bundles>
// kernel: kernel.5.cloned.1.call-start
scs
__scs_entry_jumppad:
0x0: {  	(pc) =	sbr.rel $0x88, $3  }
0x1: {  	(tag) =	ssettag $0x0;
	lr =	simm.s32 $0x1  }
0x2: {  	[smem:$0x3F9C] =	sst lr;
	_ =	strace $0xD0000000  }
0x3: {  	_ = 	snop  }
0x4: {  	_ = 	snop  }
0x5: {  	_ = 	snop  }
0x6: {  	_ = 	snop  }
0x7: {  	_ = 	snop  }
__scs_overlays_trampoline_lowered:
0x8: {  	[smem:$0x3FAB] =	sst s0  }
0x9: {  	[smem:$0x3FAC] =	sst s1  }
0xa: {  	[smem:$0x3FAD] =	sst s2  }
0xb: {  	[smem:$0x3FAE] =	sst s3  }
0xc: {  	[smem:$0x3FAF] =	sst s4  }
0xd: {  	[smem:$0x3FB0] =	sst s5  }
0xe: {  	[smem:$0x3FB1] =	sst s6  }
0xf: {  	[smem:$0x3FB2] =	sst s7  }
0x10: {  	[smem:$0x3FB3] =	sst s8  }
0x11: {  	[smem:$0x3FB4] =	sst s9;
	s0 =	simm.s32 @!p0 $0x0  }
0x12: {  	s1 =	sld [smem:$0x3F9A];
	s0 =	simm.s32 @p0 $0x1  }
0x13: {  	[smem:$0x3FB5] =	sst s0;
	s0 =	simm.s32 @!p1 $0x0  }
0x14: {  	s2 =	sld [smem:$0x3F99];
	s0 =	simm.s32 @p1 $0x1  }
0x15: {  	[smem:$0x3FB6] =	sst s0;
	s0 =	simm.s32 @!p2 $0x0  }
0x16: {  	s3 =	sld [smem:$0x3FDB];
	s0 =	simm.s32 @p2 $0x1  }
0x17: {  	s4 =	simm.s32 $0x1BF5;
	[smem:$0x3FB8] =	sst s0  }
0x18: {  	s0 =	sld [smem:$0x3F9B];
	_ =	swait.ge [sflag:s4], $0x0  }
0x19: {  	s7 =	sld [smem:$0x3F9C]  }
0x1a: {  	s8 =	sadd.s32 $0xFFFFE003, lr  }
0x1b: {  	s9 =	sadd.s32 $0xFFFFFEF7, lr;
	s5 =	simm.s32 $0xFFFFFFFF;
	p2 =	slt.u32 s8, $0xFFFFF086  }
0x1c: {  	p1 =	slt.u32 s9, $0xF7A;
	s5 =	simm.s32 @!p2 $0x0  }
0x1d: {  	s5 =	simm.s32 @p1 $0x1;
	p0 =	seq.s32 s7, s2  }
0x1e: {  	s7 =	smul.u32 @!p0 $0xF7A, s2;
	p2 =	seq.s32 @!p0 s5, $0x0  }
0x1f: {  	s9 =	smul.u32 $0xF7A, s1;
	s8 =	simm.s32 @!p0 $0x1BF5;
	p2 =	por !p2, p0  }
0x20: {  	[sflag:s8] =	ssyncset.s32 @!p0 $0xFFFFF086;
	s6 =	sadd.s32 @!p0 s3, s7;
	s7 =	simm.s32 @!p0 $0x108  }
0x21: {  	s3 =	sadd.s32 s3, s9;
	s6 =	sadd.s32 @!p0 $0x88, s6;
	s7 =	simm.s32 @p2 $0x1082  }
0x22: {  	[simem:s7], [sflag:s8] =	dma.local @!p0 [hbm:s6], $0xF7A  }
0x23: {  	s9 =	sor.u32 $0xD0000000, s2;
	s6 =	simm.s32 $0x108;
	_ =	swait.ge @!p0 [sflag:s8], $0x0  }
0x24: {  	s3 =	sadd.s32 $0x88, s3;
	s6 =	simm.s32 @!p1 $0x1082;
	[sflag:s4] =	ssyncset.s32 $0xFFFFF086  }
0x25: {  	[simem:s6], [sflag:s4] =	dma.local [hbm:s3], $0xF7A  }
0x26: {  	[smem:$0x3F9C] =	sst s1;
	(tag) =	ssettag s2;
	_ =	strace s9  }
0x27: {  	s1 =	sld [smem:$0x3FAC]  }
0x28: {  	s2 =	sld [smem:$0x3FAD]  }
0x29: {  	s4 =	sld [smem:$0x3FAF]  }
0x2a: {  	p0 =	seq.s32 s5, $0x0;
	s5 =	sld [smem:$0x3FB0]  }
0x2b: {  	s6 =	sld [smem:$0x3FB1]  }
0x2c: {  	s7 =	sld [smem:$0x3FB2]  }
0x2d: {  	s3 =	simm.s32 $0x108;
	s8 =	sld [smem:$0x3FB3]  }
0x2e: {  	s3 =	simm.s32 @!p0 $0x1082;
	s9 =	sld [smem:$0x3FB4]  }
0x2f: {  	lr =	sadd.s32 s0, s3;
	s0 =	sld [smem:$0x3FAB]  }
0x30: {  	s3 =	sld [smem:$0x3FAE]  }
0x31: {  	[smem:$0x3FB7] =	sst s10  }
0x32: {  	s10 =	sld [smem:$0x3FB5];
	_ =	sdelay $0x3  }
0x33: {  	p0 =	seq.s32 s10, $0x1;
	s10 =	sld [smem:$0x3FB7];
	_ =	sdelay $0x3  }
0x34: {  	[smem:$0x3FB7] =	sst s10  }
0x35: {  	s10 =	sld [smem:$0x3FB6];
	_ =	sdelay $0x3  }
0x36: {  	p1 =	seq.s32 s10, $0x1;
	s10 =	sld [smem:$0x3FB7];
	_ =	sdelay $0x3  }
0x37: {  	[smem:$0x3FB7] =	sst s10  }
0x38: {  	s10 =	sld [smem:$0x3FB8]  }
0x39: {  	_ = 	snop;
	(pc) =	sbr.ind lr, $3  }
0x3a: {  	_ = 	snop  }
0x3b: {  	_ = 	snop  }
0x3c: {  	p2 =	seq.s32 s10, $0x1;
	s10 =	sld [smem:$0x3FB7]  }
0x3d: {  	_ =	shalt  }
0x3e: {  	_ =	shalt  }
0x3f: {  	_ =	shalt  }
0x40: {  	_ =	shalt  }
0x41: {  	_ =	shalt  }
0x42: {  	_ =	shalt  }
0x43: {  	_ =	shalt  }
0x44: {  	_ =	shalt  }
0x45: {  	_ =	shalt  }
0x46: {  	_ =	shalt  }
0x47: {  	_ =	shalt  }
0x48: {  	_ =	shalt  }
0x49: {  	_ =	shalt  }
0x4a: {  	_ =	shalt  }
0x4b: {  	_ =	shalt  }
0x4c: {  	_ =	shalt  }
0x4d: {  	_ =	shalt  }
0x4e: {  	_ =	shalt  }
0x4f: {  	_ =	shalt  }
0x50: {  	_ =	shalt  }
0x51: {  	_ =	shalt  }
0x52: {  	_ =	shalt  }
0x53: {  	_ =	shalt  }
0x54: {  	_ =	shalt  }
0x55: {  	_ =	shalt  }
0x56: {  	_ =	shalt  }
0x57: {  	_ =	shalt  }
0x58: {  	_ =	shalt  }
0x59: {  	_ =	shalt  }
0x5a: {  	_ =	shalt  }
0x5b: {  	_ =	shalt  }
0x5c: {  	_ =	shalt  }
0x5d: {  	_ =	shalt  }
0x5e: {  	_ =	shalt  }
0x5f: {  	_ =	shalt  }
0x60: {  	_ =	shalt  }
0x61: {  	_ =	shalt  }
0x62: {  	_ =	shalt  }
0x63: {  	_ =	shalt  }
0x64: {  	_ =	shalt  }
0x65: {  	_ =	shalt  }
0x66: {  	_ =	shalt  }
0x67: {  	_ =	shalt  }
0x68: {  	_ =	shalt  }
0x69: {  	_ =	shalt  }
0x6a: {  	_ =	shalt  }
0x6b: {  	_ =	shalt  }
0x6c: {  	_ =	shalt  }
0x6d: {  	_ =	shalt  }
0x6e: {  	_ =	shalt  }
0x6f: {  	_ =	shalt  }
0x70: {  	_ =	shalt  }
0x71: {  	_ =	shalt  }
0x72: {  	_ =	shalt  }
0x73: {  	_ =	shalt  }
0x74: {  	_ =	shalt  }
0x75: {  	_ =	shalt  }
0x76: {  	_ =	shalt  }
0x77: {  	_ =	shalt  }
0x78: {  	_ =	shalt  }
0x79: {  	_ =	shalt  }
0x7a: {  	_ =	shalt  }
0x7b: {  	_ =	shalt  }
0x7c: {  	_ =	shalt  }
0x7d: {  	_ =	shalt  }
0x7e: {  	_ =	shalt  }
0x7f: {  	_ =	shalt  }
0x80: {  	_ =	shalt  }
0x81: {  	_ =	shalt  }
0x82: {  	_ =	shalt  }
0x83: {  	_ =	shalt  }
0x84: {  	_ =	shalt  }
0x85: {  	_ =	shalt  }
0x86: {  	_ =	shalt  }
0x87: {  	_ =	shalt  }
.Lfunc_end0:
.L_simem_size_0:
called_computation_lowered:
.L_overlay_start_0:
0x88: {  	s2 =	sld [smem:$0x3FD9]  }
0x89: {  	s3 =	sld [smem:$0x3FFE];
	_ =	sdelay $0x1  }
0x8a: {  	s1 =	srdreg.scid  }
0x8b: {  	s0 =	sand.u32 $0x1, s1  }
0x8c: {  	s17 =	sshll.u32 s0, $0xA;
	s2 =	sadd.s32 s3, s2  }
0x8d: {  	s2 =	sadd.s32 s2, s17  }
0x8e: {  	[smem:$0x3FC3] =	sst s2  }
0x8f: {  	_ = 	snop  }
0x90: {  	s2 =	sld [smem:$0x3FD0];
	(tm) =	ssettm $0x1  }
0x91: {  	s18 =	sld [smem:$0x3FFB];
	_ =	sdelay $0x3  }
0x92: {  	_ =	strace s18  }
0x93: {  	s3 =	sld [smem:$0x3FFC];
	_ =	sdelay $0x3  }
0x94: {  	_ =	strace s3  }
0x95: {  	s3 =	sld [smem:$0x3FFD];
	_ =	sdelay $0x3  }
0x96: {  	_ =	strace s3  }
0x97: {  	_ =	strace $0x8FFFFFFF  }
0x98: {  	s19 =	sld [smem:$0x3FDB];
	_ =	sdelay $0x1  }
0x99: {  	s4 =	simm.s32 $_scs_section_size  }
0x9a: {  	s5 =	simm.s32 $_size__tile_overlayer_lowered;
	s6 =	simm.s32 $_tile_overlayer_lowered  }
0x9b: {  	s22 =	simm.s32 $0x1BFF;
	s21 =	sshll.u32 s6, $0x1;
	s3 =	sadd.s32 s4, s19  }
0x9c: {  	s7 =	simm.s32 $0x0;
	s20 =	sshll.u32 s5, $0x1;
	s5 =	sadd.s32 s21, s3  }
0x9d: {  	[timem:s7], [sflag:s22] =	dma.local [hbm:s5], s20  }
0x9e: {  	_ =	swait.ge [sflag:s22], s20  }
0x9f: {  	s4 =	ssub.s32 $0x0, s20;
	[sflag:s22] =	ssyncset.done $0x0  }
0xa0: {  	[sflag:s22] =	ssyncadd.s32 s4;
	_ =	sdelay $0x1  }
0xa1: {  	s23 =	simm.s32 $0x1B8B  }
0xa2: {  	_ =	swait.ge [sflag:s23], $0x1  }
0xa3: {  	[sflag:s23] =	ssyncset.done $0x0  }
0xa4: {  	s25 =	simm.s32 $0x1B8E;
	s24 =	sld [smem:$0x3FFE];
	[sflag:s23] =	ssyncadd.s32 $0xFFFFFFFF  }
0xa5: {  	s26 =	simm.s32 $execute0_lowered;
	[smem:$0x3FD2] =	sst s25  }
0xa6: {  	s5 =	sshll.u32 s26, $0x1;
	_ =	strace $0x80000046;
	[dreg:$0x1] =	wrdreg $0xFFFFFFFF  }
0xa7: {  	s28 =	simm.s32 $_size_execute0_lowered;
	s3 =	sadd.s32 s3, s5;
	[dreg:$0x0] =	wrdreg $0x0  }
0xa8: {  	s5 =	sshll.u32 s28, $0x1;
	[dreg:$0x2] =	wrdreg s3  }
0xa9: {  	[dreg:$0x3] =	wrdreg s5  }
0xaa: {  	[dreg:$0x4] =	wrdreg $0xC0  }
0xab: {  	_ =	task [dreg:s7], $0x5FFFF  }
0xac: {  	[dreg:$0x1] =	wrdreg $0xFFFFFFFF  }
0xad: {  	[dreg:$0x0] =	wrdreg $0x60  }
0xae: {  	[dreg:$0x2] =	wrdreg s24  }
0xaf: {  	[dreg:$0x3] =	wrdreg s2  }
0xb0: {  	[dreg:$0x4] =	wrdreg $0xC5300  }
0xb1: {  	[dreg:$0x5] =	wrdreg $0x9  }
0xb2: {  	_ =	task.clear_ibuf [dreg:s7], $0x6FFFF;
	_ =	strace $0x90000046  }
0xb3: {  	s29 =	simm.s32 $0x9;
	_ =	strace $0x80000048  }
0xb4: {  	_ =	swait.ge [sflag:s29], $0x1  }
0xb5: {  	[sflag:s29] =	ssyncadd.s32 $0xFFFFFFFF  }
0xb6: {  	_ =	strace $0x90000048  }
0xb7: {  	_ =	sfence  }
0xb8: {  	s30 =	sld [smem:$0x0];
	_ =	sdelay $0x2  }
0xb9: {  	s31 =	sshll.u32 s1, $0xD;
	s1 =	sshrl.u32 s1, $0x2  }
0xba: {  	s3 =	sand.u32 $0x4000, s31;
	s1 =	sadd.s32 s1, s30  }
0xbb: {  	s0 =	sor.u32 s3, s0;
	s1 =	sshll.u32 s1, $0x11  }
0xbc: {  	s0 =	sor.u32 s1, s0  }
0xbd: {  	s0 =	sadd.s32 $0x8F2B, s0  }
0xbe: {  	[sflag:s0] =	ssyncadd.remote.s32 $0x1  }
0xbf: {  	_ =	sfence.sel $0xFFFF  }
0xc0: {  	[dreg:$0x0] =	wrdreg $0xFFFFFFFF;
	(pc) =	sbr.abs _section_cstart, $3  }
0xc1: {  	[dreg:$0x1] =	wrdreg $0xFFFFFFFF  }
0xc2: {  	_ =	task.clear_ibuf [dreg:s7], $0x2FFFF;
	_ =	strace $0x9FFFFFFF  }
0xc3: {  	(tm) =	ssettm $0x7FFFFFFF  }
tec
execute0_lowered:
.L_overlay_start_1:
0x0: {  	(tag) =	ssettag $0x1  }
0x1: {  	s0 =	rddreg [dreg:$0x0]  }
0x2: {  	s7 =	rddreg [dreg:$0x1]  }
0x3: {  	s1 =	srdreg.scid;
	s2 =	rddreg [dreg:$0x2];
	s3 =	simm.s32 $0x0  }
0x4: {  	s15 =	simm.s32 $0x50;
	s16 =	simm.s32 $0x2710;
	s17 =	simm.s32 $0x7530  }
0x5: {  	s18 =	simm.s32 $0x2760;
	s19 =	simm.s32 $0x9D30;
	s20 =	simm.s32 $0x1  }
0x6: {  	s21 =	simm.s32 $0x2;
	s22 =	simm.s32 $0x3;
	s23 =	simm.s32 $0x4  }
0x7: {  	s28 =	simm.s32 $0x74E0;
	s29 =	simm.s32 $0x0;
	s5 =	sand.u32 $0x1, s1  }
0x8: {  	s1 =	stileid.u32;
	[smem:$0x7FF] =	sst s3;
	s14 =	sadd.s32 $0x138000, s2  }
0x9: {  	s4 =	sshll.u32 s5, $0x4;
	_ =	strace $0x80000047;
	s10 =	smul.u32 $0x13800, s1  }
0xa: {  	s8 =	ssub.s32 $0x2, s5;
	s24 =	smul.u32 $0x138800, s5;
	p0 =	sne.s32 s1, $0xF  }
0xb: {  	s31 =	sshll.u32 s1, $0x6;
	s4 =	sor.u32 s1, s4;
	s9 =	sshrl.u32 s8, $0x1  }
0xc: {  	s12 =	sor.u32 $0x1C05, s31;
	s14 =	sshrl.u32 @!p0 s14, $0x3;
	s6 =	smul.u32 $0x4E2, s4  }
0xd: {  	s4 =	sadd.s32 $0xA00, s0;
	s11 =	ssub.s32 s8, s9;
	s13 =	sadd.s32 s10, s2  }
0xe: {  	s25 =	sshrl.u32 s10, $0x3;
	s26 =	sadd.s32 s10, s24;
	s8 =	sshrl.u32 s24, $0x3  }
0xf: {  	s24 =	simm.s32 $0x7440;
	s9 =	sshrl.u32 s26, $0x3;
	s10 =	smax.u32 s11, $0x1  }
0x10: {  	s11 =	simm.s32 $0x5;
	s26 =	simm.s32 $0x4DD0;
	s6 =	sadd.s32 s6, s0  }
0x11: {  	s13 =	sshrl.u32 s13, $0x3;
	s0 =	sadd.s32 $0x16A200, s0;
	s5 =	sadd.s32 $0x160400, s6  }
0x12: {  	s6 =	sadd.s32 s7, s25;
	s30 =	sadd.s32 s0, s8;
	s7 =	sadd.s32 $0x27000, s7  }
0x13: {  	s8 =	sadd.s32 s0, s9;
	s25 =	simm.s32 $0x7490;
	s9 =	sadd.s32 $0x27000, s30  }
.LBB2_1:
0x14: {  	[tilespmem:s3], [sflag:$0x5] =	stream.linear.gather [hbm4b:s5+s3], $0x2710, $0x38;
	[tilespmem:$0x1FDB0] =	vst v63  }
0x15: {  	_ =	swait.ge [sflag:s11], $0x2710  }
0x16: {  	[sflag:s11] =	ssyncset.done $0x0  }
0x17: {  	[sflag:s11] =	ssyncadd.s32 $0xFFFFD8F0  }
0x18: {  	[spmem:s13], [sflag:s12] =	dma.local [hbm:s6], $0x2700  }
0x19: {  	_ =	swait.ge [sflag:s11], $0x2700  }
0x1a: {  	[sflag:s11] =	ssyncset.done $0x0  }
0x1b: {  	s0 =	simm.s32 @!p0 $0x5;
	[sflag:s11] =	ssyncadd.s32 $0xFFFFD900  }
0x1c: {  	[spmem:s14], [sflag:s12] =	dma.local @!p0 [hbm:s7], $0x100  }
0x1d: {  	_ =	swait.ge @!p0 [sflag:s0], $0x100  }
0x1e: {  	[sflag:s0] =	ssyncset.done @!p0 $0x0  }
0x1f: {  	s30 =	simm.s32 $0x0;
	[sflag:s0] =	ssyncadd.s32 @!p0 $0xFFFFFF00  }
0x20: {  	v0 =	vld [tilespmem:s30+$0x40]  }
0x21: {  	v1 =	vld [tilespmem:s30+$0x0]  }
0x22: {  	v2 =	vld [tilespmem:s30+$0x10]  }
0x23: {  	v5 =	vld [tilespmem:s30+$0x20]  }
0x24: {  	v6 =	vld [tilespmem:s30+$0x30]  }
0x25: {  	v3 =	vand.u32 $0x3FFF, v0  }
0x26: {  	v4 =	vshra.s32 v1, $0xE;
	[tilespmem:s30+$0x4E60] =	vst v3  }
0x27: {  	v0 =	vshra.s32 v0, $0xE;
	v1 =	vand.u32 $0x3FFF, v1;
	[tilespmem:s30+$0x2710] =	vst v4  }
0x28: {  	v7 =	vshra.s32 v2, $0xE;
	v3 =	vand.u32 $0x3FFF, v2;
	[tilespmem:s30+$0x4E20] =	vst v1;
	v4 =	vshra.s32 v5, $0xE  }
0x29: {  	s31 =	simm.s32 $0x50;
	s0 =	simm.s32 $0x280;
	v1 =	vand.u32 $0x3FFF, v5;
	[tilespmem:s30+$0x2720] =	vst v7;
	v5 =	vshra.s32 v6, $0xE;
	v2 =	vand.u32 $0x3FFF, v6  }
.LBB2_2:
0x2a: {  	p1 =	sne.s32 s0, $0x9B00;
	v6 =	vld [tilespmem:s31+$0x40];
	[tilespmem:s30+$0x4E30] =	vst v3  }
0x2b: {  	v3 =	vld [tilespmem:s31+$0x0];
	[tilespmem:s30+$0x2730] =	vst v4  }
0x2c: {  	v4 =	vld [tilespmem:s31+$0x10];
	[tilespmem:s30+$0x4E40] =	vst v1  }
0x2d: {  	v1 =	vld [tilespmem:s31+$0x20];
	[tilespmem:s30+$0x2740] =	vst v5  }
0x2e: {  	v7 =	vld [tilespmem:s31+$0x30];
	[tilespmem:s30+$0x4E50] =	vst v2  }
.Ltmp0:
0x2f: {  	v2 =	vand.u32 $0x3FFF, v6;
	[tilespmem:s30+$0x2750] =	vst v0;
	v0 =	vshra.s32 v6, $0xE;
	s30 =	smov.u32 s31;
	(pc) =	sbr.rel @p1 .LBB2_2-.Ltmp0, $4  }
0x30: {  	v5 =	vshra.s32 v3, $0xE;
	v6 =	vand.u32 $0x3FFF, v3;
	[tilespmem:s30+$0x4E60] =	vst v2  }
0x31: {  	[tilespmem:s30+$0x2710] =	vst v5;
	v2 =	vshra.s32 v4, $0xE;
	v3 =	vand.u32 $0x3FFF, v4  }
0x32: {  	[tilespmem:s30+$0x4E20] =	vst v6;
	v4 =	vshra.s32 v1, $0xE;
	v1 =	vand.u32 $0x3FFF, v1  }
0x33: {  	s31 =	sshra.s32 s0, $0x2;
	s0 =	sadd.s32 $0x140, s0;
	[tilespmem:s30+$0x2720] =	vst v2;
	v5 =	vshra.s32 v7, $0xE;
	v2 =	vand.u32 $0x3FFF, v7  }
0x34: {  	v6 =	vld [tilespmem:s31+$0x40];
	[tilespmem:s30+$0x4E30] =	vst v3  }
0x35: {  	v3 =	vld [tilespmem:s31+$0x0];
	[tilespmem:s30+$0x2730] =	vst v4  }
0x36: {  	v4 =	vld [tilespmem:s31+$0x10];
	[tilespmem:s30+$0x4E40] =	vst v1  }
0x37: {  	v1 =	vld [tilespmem:s31+$0x20];
	[tilespmem:s30+$0x2740] =	vst v5  }
0x38: {  	v5 =	vld [tilespmem:s31+$0x30];
	[tilespmem:s30+$0x4E50] =	vst v2  }
0x39: {  	[tilespmem:s30+$0x2750] =	vst v0;
	v55 =	vand.u32 $0x3FFF, v6  }
0x3a: {  	v63 =	vshra.s32 v6, $0xE;
	[tilespmem:s31+$0x4E60] =	vst v55  }
0x3b: {  	v56 =	vshra.s32 v3, $0xE;
	[tilespmem:s31+$0x2750] =	vst v63  }
0x3c: {  	v57 =	vand.u32 $0x3FFF, v3;
	[tilespmem:s31+$0x2710] =	vst v56  }
0x3d: {  	v58 =	vshra.s32 v4, $0xE;
	[tilespmem:s31+$0x4E20] =	vst v57  }
0x3e: {  	v59 =	vand.u32 $0x3FFF, v4;
	[tilespmem:s31+$0x2720] =	vst v58  }
0x3f: {  	v60 =	vshra.s32 v1, $0xE;
	[tilespmem:s31+$0x4E30] =	vst v59  }
0x40: {  	v1 =	vand.u32 $0x3FFF, v1;
	[tilespmem:s31+$0x2730] =	vst v60  }
0x41: {  	v61 =	vshra.s32 v5, $0xE;
	[tilespmem:s31+$0x4E40] =	vst v1  }
0x42: {  	v62 =	vand.u32 $0x3FFF, v5;
	[tilespmem:s31+$0x2740] =	vst v61  }
0x43: {  	[tilespmem:s31+$0x4E50] =	vst v62  }
0x44: {  	[bflag:$0x0] =	sbarrier.arrive $0xFFFF  }
0x45: {  	[tilespmem:s17], [sflag:$0x1] =	stream.indirect.gather [hbm4b:s4+s15], $0x80, s16, s15, $0xb8;
	[tilespmem:$0x1FDB0] =	vst v63  }
0x46: {  	_ = 	snop  }
0x47: {  	[tilespmem:s19], [sflag:$0x2] =	stream.indirect.gather [hbm4b:s4+s15], $0x80, s18, s15, $0xb8;
	[tilespmem:$0x1FDB0] =	vst v63  }
0x48: {  	_ =	swait.ge [sflag:s20], $0x2800  }
0x49: {  	[sflag:s20] =	ssyncset.done $0x0  }
0x4a: {  	s0 =	simm.s32 $0x4E20;
	[sflag:s20] =	ssyncadd.s32 $0xFFFFD800  }
0x4b: {  	[spmem:s2] =	stream.indirect.scatter.add.f32 [tilespmem:s17], [sflag:$0x3], $0x80, s0, s15, $0xb8;
	[tilespmem:$0x1FDB0] =	vst v63  }
0x4c: {  	_ =	swait.ge [sflag:s21], $0x2800  }
0x4d: {  	[sflag:s21] =	ssyncset.done $0x0  }
0x4e: {  	s31 =	simm.s32 $0x4E70;
	[sflag:s21] =	ssyncadd.s32 $0xFFFFD800  }
0x4f: {  	[spmem:s2] =	stream.indirect.scatter.add.f32 [tilespmem:s19], [sflag:$0x4], $0x80, s31, s15, $0xb8;
	[tilespmem:$0x1FDB0] =	vst v63  }
0x50: {  	_ =	swait.ge [sflag:s22], $0x2800  }
0x51: {  	[sflag:s22] =	ssyncset.done $0x0  }
0x52: {  	s31 =	simm.s32 $0x27B0;
	[sflag:s22] =	ssyncadd.s32 $0xFFFFD800  }
0x53: {  	[tilespmem:s17], [sflag:$0x1] =	stream.indirect.gather [hbm4b:s4+s15], $0x80, s31, s15, $0xb8;
	[tilespmem:$0x1FDB0] =	vst v63  }
0x54: {  	_ =	swait.ge [sflag:s23], $0x2800  }
0x55: {  	[sflag:s23] =	ssyncset.done $0x0  }
0x56: {  	s30 =	simm.s32 $0x2800;
	s0 =	simm.s32 $0x280;
	[sflag:s23] =	ssyncadd.s32 $0xFFFFD800  }
.LBB2_4:
0x57: {  	[tilespmem:s19], [sflag:$0x2] =	stream.indirect.gather [hbm4b:s4+s15], $0x80, s30, s15, $0xb8;
	[tilespmem:$0x1FDB0] =	vst v63  }
0x58: {  	s30 =	smov.u32 s0  }
0x59: {  	p1 =	sne.s32 s0, $0x9600;
	s0 =	sadd.s32 $0x280, s0;
	_ =	swait.ge [sflag:s20], $0x2800  }
0x5a: {  	s30 =	sshra.s32 s30, $0x2;
	[sflag:s20] =	ssyncset.done $0x0  }
0x5b: {  	s31 =	sadd.s32 $0x4E20, s30;
	[sflag:s20] =	ssyncadd.s32 $0xFFFFD800  }
0x5c: {  	[spmem:s2] =	stream.indirect.scatter.add.f32 [tilespmem:s17], [sflag:$0x3], $0x80, s31, s15, $0xb8;
	[tilespmem:$0x1FDB0] =	vst v63  }
0x5d: {  	_ =	swait.ge [sflag:s21], $0x2800  }
0x5e: {  	[sflag:s21] =	ssyncset.done $0x0  }
0x5f: {  	s31 =	sadd.s32 $0x4E70, s30;
	[sflag:s21] =	ssyncadd.s32 $0xFFFFD800  }
0x60: {  	[spmem:s2] =	stream.indirect.scatter.add.f32 [tilespmem:s19], [sflag:$0x4], $0x80, s31, s15, $0xb8;
	[tilespmem:$0x1FDB0] =	vst v63  }
0x61: {  	_ =	swait.ge [sflag:s22], $0x2800  }
0x62: {  	[sflag:s22] =	ssyncset.done $0x0  }
.Ltmp1:
0x63: {  	s31 =	sadd.s32 $0x27B0, s30;
	[sflag:s22] =	ssyncadd.s32 $0xFFFFD800;
	(pc) =	sbr.rel @p1 .LBB2_4-.Ltmp1, $4  }
0x64: {  	[tilespmem:s17], [sflag:$0x1] =	stream.indirect.gather [hbm4b:s4+s15], $0x80, s31, s15, $0xb8;
	[tilespmem:$0x1FDB0] =	vst v63  }
0x65: {  	_ =	swait.ge [sflag:s23], $0x2800  }
0x66: {  	[sflag:s23] =	ssyncset.done $0x0  }
0x67: {  	s30 =	sadd.s32 $0x2800, s30;
	[sflag:s23] =	ssyncadd.s32 $0xFFFFD800  }
0x68: {  	[tilespmem:s19], [sflag:$0x2] =	stream.indirect.gather [hbm4b:s4+s15], $0x80, s30, s15, $0xb8;
	[tilespmem:$0x1FDB0] =	vst v63  }
0x69: {  	_ =	swait.ge [sflag:s20], $0x2800  }
0x6a: {  	[sflag:s20] =	ssyncset.done $0x0  }
0x6b: {  	[sflag:s20] =	ssyncadd.s32 $0xFFFFD800  }
0x6c: {  	[spmem:s2] =	stream.indirect.scatter.add.f32 [tilespmem:s17], [sflag:$0x5], $0x80, s24, s15, $0xb8;
	[tilespmem:$0x1FDB0] =	vst v63  }
0x6d: {  	_ =	swait.ge [sflag:s11], $0x2800  }
0x6e: {  	[sflag:s11] =	ssyncset.done $0x0  }
0x6f: {  	[sflag:s11] =	ssyncadd.s32 $0xFFFFD800  }
0x70: {  	_ =	swait.ge [sflag:s21], $0x2800  }
0x71: {  	[sflag:s21] =	ssyncset.done $0x0  }
0x72: {  	[sflag:s21] =	ssyncadd.s32 $0xFFFFD800  }
0x73: {  	[spmem:s2] =	stream.indirect.scatter.add.f32 [tilespmem:s19], [sflag:$0x5], $0x80, s25, s15, $0xb8;
	[tilespmem:$0x1FDB0] =	vst v63  }
0x74: {  	_ =	swait.ge [sflag:s11], $0x2800  }
0x75: {  	[sflag:s11] =	ssyncset.done $0x0  }
0x76: {  	[sflag:s11] =	ssyncadd.s32 $0xFFFFD800  }
0x77: {  	[tilespmem:s17], [sflag:$0x1] =	stream.indirect.gather [hbm4b:s4+s15], $0x80, s26, s15, $0xb8;
	[tilespmem:$0x1FDB0] =	vst v63  }
0x78: {  	_ =	swait.ge [sflag:s20], $0x2800  }
0x79: {  	[sflag:s20] =	ssyncset.done $0x0  }
0x7a: {  	[sflag:s20] =	ssyncadd.s32 $0xFFFFD800  }
0x7b: {  	[spmem:s2] =	stream.indirect.scatter.add.f32 [tilespmem:s17], [sflag:$0x5], $0x80, s28, s15, $0xb8;
	[tilespmem:$0x1FDB0] =	vst v63  }
0x7c: {  	_ =	swait.ge [sflag:s11], $0x2800  }
0x7d: {  	[sflag:s11] =	ssyncset.done $0x0  }
0x7e: {  	[sflag:s11] =	ssyncadd.s32 $0xFFFFD800  }
0x7f: {  	[bflag:$0x0] =	sbarrier.arrive $0xFFFF  }
0x80: {  	[hbm:s8], [sflag:s12] =	dma.local [spmem:s13], $0x2700  }
0x81: {  	s29 =	sadd.s32 $0x1, s29;
	_ =	swait.ge [sflag:s11], $0x2700  }
0x82: {  	p1 =	sne.s32 s29, s10;
	[sflag:s11] =	ssyncset.done $0x0  }
.Ltmp2:
0x83: {  	s0 =	simm.s32 @!p0 $0x5;
	[sflag:s11] =	ssyncadd.s32 $0xFFFFD900;
	(pc) =	sbr.rel @p1 .LBB2_1-.Ltmp2, $4  }
0x84: {  	[hbm:s9], [sflag:s12] =	dma.local @!p0 [spmem:s14], $0x100  }
0x85: {  	_ =	swait.ge @!p0 [sflag:s0], $0x100  }
0x86: {  	[sflag:s0] =	ssyncset.done @!p0 $0x0  }
0x87: {  	[sflag:s0] =	ssyncadd.s32 @!p0 $0xFFFFFF00  }
0x88: {  	_ =	sfence.sel $0x180000  }
0x89: {  	[bflag:$0x0] =	sbarrier.arrive $0xFFFF  }
0x8a: {  	_ =	strace $0x90000047  }
0x8b: {  	[bflag:$0x2] =	sbarrier.arrive $0xFFFF  }
0x8c: {  	p0 =	sne.s32 s1, $0x0;
	s0 =	rddreg [dreg:$0x3]  }
0x8d: {  	s0 =	sadd.s32 @!p0 $0x100000, s0  }
0x8e: {  	[sflag:s0] =	ssyncadd.tile.s32 @!p0 $0x1;
	_ =	shalt  }
.Lfunc_end2:
_tile_overlayer_lowered:
.L_overlay_start_2:
0x8f: {  	(tag) =	ssettag $0x2  }
0x90: {  	s0 =	rddreg [dreg:$0x0];
	s2 =	stileid.u32  }
0x91: {  	s1 =	rddreg [dreg:$0x1];
	p0 =	sne.s32 s2, $0x0  }
0x92: {  	s3 =	rddreg [dreg:$0x2];
	[bflag:$0x3] =	sbarrier.arrive $0xFFFF;
	s2 =	simm.s32 @!p0 $0x1C05  }
0x93: {  	[timem:s3], [sflag:s2] =	dma.local @!p0 [hbm:s0], s1  }
0x94: {  	s0 =	simm.s32 @!p0 $0x5  }
0x95: {  	_ =	swait.ge @!p0 [sflag:s0], s1  }
0x96: {  	s1 =	ssub.s32 @!p0 $0x0, s1;
	[sflag:s0] =	ssyncset.done @!p0 $0x0  }
0x97: {  	[sflag:s0] =	ssyncadd.s32 @!p0 s1  }
0x98: {  	[bflag:$0x3] =	sbarrier.arrive $0xFFFF  }
0x99: {  	_ =	shalt  }

</sc_bundles>
